<compile_context>
chip_gen: v7x
topology: tpu7x:2x2x1
jax: 0.10.2.dev20260603
libtpu: 0.0.44.dev20260713+nightly
codegen_flags: <defaults>
</compile_context>

<pallas_src>
import functools

import jax
import jax.numpy as jnp
from jax import lax
from jax.experimental import pallas as pl
from jax.experimental.pallas import tpu as pltpu
from jax.experimental.pallas import tpu_sc as plsc

N = 10000
E = 320000
H = 128
ED = 16

NC = 2
NS = 16
NW = NC * NS
C = 80
NCHUNK = E // C
KPT = NCHUNK // NW
RPS = 624
TAIL = N - NS * RPS



def _proj_body(ea_ref, wt_ref, b_ref, out_ref):
    out_ref[...] = (
        jnp.dot(ea_ref[...], wt_ref[...], preferred_element_type=jnp.float32)
        + b_ref[...]
    )


def _edge_proj(edge_attr, w_t, b_row):
    BE = 3200
    grid = E // BE
    return pl.pallas_call(
        _proj_body,
        grid=(grid,),
        in_specs=[
            pl.BlockSpec((BE, ED), lambda i: (i, 0)),
            pl.BlockSpec((ED, H), lambda i: (0, 0)),
            pl.BlockSpec((1, H), lambda i: (0, 0)),
        ],
        out_specs=pl.BlockSpec((BE, H), lambda i: (i, 0)),
        out_shape=jax.ShapeDtypeStruct((E, H), jnp.float32),
    )(edge_attr, w_t, b_row)



def _scatter_body(x_hbm, src_hbm, dst_hbm, proj_hbm, out_hbm,
                  acc, srcv0, dstv0, xbuf0, pbuf0, srcv1, dstv1, xbuf1, pbuf1,
                  sem_i0, sem_g0, sem_p0, sem_i1, sem_g1, sem_p1):
    c = lax.axis_index("c")
    s = lax.axis_index("s")
    wid = s * NC + c
    bufs = ((srcv0, dstv0, xbuf0, pbuf0, sem_i0, sem_g0, sem_p0),
            (srcv1, dstv1, xbuf1, pbuf1, sem_i1, sem_g1, sem_p1))

    def _zrow(i, _):
        for h in range(H // 16):
            xbuf0[i, pl.ds(h * 16, 16)] = jnp.zeros((16,), jnp.float32)
        return 0
    lax.fori_loop(0, C, _zrow, 0)
    for k in range(7):
        pltpu.sync_copy(xbuf0, acc.at[pl.ds(s * RPS + k * C, C)])
    pltpu.sync_copy(xbuf0.at[pl.ds(0, RPS - 7 * C)],
                    acc.at[pl.ds(s * RPS + 7 * C, RPS - 7 * C)])

    @pl.when(s == 0)
    def _zero_tail():
        pltpu.sync_copy(xbuf0.at[pl.ds(0, TAIL)], acc.at[pl.ds(NS * RPS, TAIL)])

    plsc.subcore_barrier()

    def _base(k):
        return (wid + k * NW) * C

    def _issue_idx(k, b):
        srcv, dstv = bufs[b][0], bufs[b][1]
        sem = bufs[b][4]
        pltpu.async_copy(src_hbm.at[pl.ds(_base(k), C)], srcv, sem)
        pltpu.async_copy(dst_hbm.at[pl.ds(_base(k), C)], dstv, sem)

    def _wait_idx(b):
        srcv, dstv, sem = bufs[b][0], bufs[b][1], bufs[b][4]
        pltpu.make_async_copy(src_hbm.at[pl.ds(0, C)], srcv, sem).wait()
        pltpu.make_async_copy(dst_hbm.at[pl.ds(0, C)], dstv, sem).wait()

    def _issue_fetch(k, b):
        srcv, xbuf, pbuf = bufs[b][0], bufs[b][2], bufs[b][3]
        pltpu.async_copy(proj_hbm.at[pl.ds(_base(k), C)], pbuf, bufs[b][6])
        pltpu.async_copy(x_hbm.at[srcv], xbuf, bufs[b][5])

    def _compute_scatter(b):
        srcv, dstv, xbuf, pbuf = bufs[b][:4]
        pltpu.make_async_copy(proj_hbm.at[pl.ds(0, C)], pbuf, bufs[b][6]).wait()
        pltpu.make_async_copy(x_hbm.at[srcv], xbuf, bufs[b][5]).wait()

        def _row(i, _):
            for h in range(H // 16):
                sl = pl.ds(h * 16, 16)
                xbuf[i, sl] = jnp.maximum(xbuf[i, sl] + pbuf[i, sl], 0.0)
            return 0
        lax.fori_loop(0, C, _row, 0)
        pltpu.sync_copy(xbuf, acc.at[dstv], add=True)

    _issue_idx(0, 0)
    _wait_idx(0)
    _issue_fetch(0, 0)
    _issue_idx(1, 1)

    def _pair(p, _):
        for half in range(2):
            k = 2 * p + half
            cur = half
            nxt = 1 - cur

            @pl.when(k + 1 < KPT)
            def _pf():
                _wait_idx(nxt)
                _issue_fetch(k + 1, nxt)

            @pl.when(k < KPT)
            def _do():
                _compute_scatter(cur)

            @pl.when(k + 2 < KPT)
            def _pi():
                _issue_idx(k + 2, cur)
        return 0

    lax.fori_loop(0, (KPT + 1) // 2, _pair, 0)
    plsc.subcore_barrier()

    pltpu.sync_copy(
        acc.at[pl.ds(s * RPS, RPS)],
        out_hbm.at[c, pl.ds(s * RPS, RPS)],
    )

    @pl.when(s == 0)
    def _write_tail():
        pltpu.sync_copy(
            acc.at[pl.ds(NS * RPS, TAIL)],
            out_hbm.at[c, pl.ds(NS * RPS, TAIL)],
        )


@functools.partial(
    pl.kernel,
    out_type=jax.ShapeDtypeStruct((NC, N, H), jnp.float32),
    mesh=plsc.VectorSubcoreMesh(core_axis_name="c", subcore_axis_name="s"),
    scratch_types=[
        pltpu.VMEM_SHARED((N, H), jnp.float32),
        pltpu.VMEM((C,), jnp.int32),
        pltpu.VMEM((C,), jnp.int32),
        pltpu.VMEM((C, H), jnp.float32),
        pltpu.VMEM((C, H), jnp.float32),
        pltpu.VMEM((C,), jnp.int32),
        pltpu.VMEM((C,), jnp.int32),
        pltpu.VMEM((C, H), jnp.float32),
        pltpu.VMEM((C, H), jnp.float32),
        pltpu.SemaphoreType.DMA,
        pltpu.SemaphoreType.DMA,
        pltpu.SemaphoreType.DMA,
        pltpu.SemaphoreType.DMA,
        pltpu.SemaphoreType.DMA,
        pltpu.SemaphoreType.DMA,
    ],
)
def _scatter(x_hbm, src_hbm, dst_hbm, proj_hbm, out_hbm, *scratch):
    _scatter_body(x_hbm, src_hbm, dst_hbm, proj_hbm, out_hbm, *scratch)



def _mlp_body(eps_ref, x_ref, parts_ref, w1t_ref, b1_ref, g1_ref, bt1_ref,
              w2t_ref, b2_ref, go_ref, bo_ref, out_ref):
    def _sigmoid(v):
        return 1.0 / (1.0 + jnp.exp(-v))

    def _bn(z, g, b):
        m = jnp.mean(z, axis=0, keepdims=True)
        v = jnp.mean((z - m) * (z - m), axis=0, keepdims=True)
        return (z - m) * jax.lax.rsqrt(v + 1e-5) * g + b

    agg = parts_ref[0] + parts_ref[1]
    h0 = (1.0 + eps_ref[0]) * x_ref[...] + agg
    z1 = jnp.dot(h0, w1t_ref[...], preferred_element_type=jnp.float32) + b1_ref[...]
    bn1 = _bn(z1, g1_ref[...], bt1_ref[...])
    a1 = bn1 * _sigmoid(bn1)
    z2 = jnp.dot(a1, w2t_ref[...], preferred_element_type=jnp.float32) + b2_ref[...]
    h = _bn(z2, go_ref[...], bo_ref[...])
    out_ref[...] = h * _sigmoid(h)


def _mlp(eps_1, x, parts, w1t, b1, g1, bt1, w2t, b2, go, bo):
    vspec = pl.BlockSpec(memory_space=pltpu.MemorySpace.VMEM)
    return pl.pallas_call(
        _mlp_body,
        in_specs=[pl.BlockSpec(memory_space=pltpu.MemorySpace.SMEM)]
        + [vspec] * 10,
        out_specs=vspec,
        out_shape=jax.ShapeDtypeStruct((N, H), jnp.float32),
    )(eps_1, x, parts, w1t, b1, g1, bt1, w2t, b2, go, bo)



def kernel(x, edge_index, edge_attr, W_e, b_e, eps, W1, b1, g1, beta1,
           W2, b2, g_out, beta_out):
    src = edge_index[0]
    dst = edge_index[1]
    proj = _edge_proj(edge_attr, W_e.T, b_e.reshape(1, H))
    parts = _scatter(x, src, dst, proj)
    return _mlp(
        eps.reshape(1), x, parts,
        W1.T, b1.reshape(1, 2 * H), g1.reshape(1, 2 * H),
        beta1.reshape(1, 2 * H),
        W2.T, b2.reshape(1, H), g_out.reshape(1, H), beta_out.reshape(1, H),
    )

# --- scband reference (transcript-rebuilt; emitter-appended) ---
"""Pipeline reference for scband-ginelayer-83004537962843 (READ-ONLY COPY).

The authoritative reference and input builder live on the scoring server;
editing this copy changes nothing except your own understanding.
"""

import jax, jax.numpy as jnp
import numpy as np

N = 10000
E = 320000
H = 128
ED = 16


def setup_inputs(seed: int = 0) -> dict:
    key = jax.random.key(seed)
    ks = jax.random.split(key, 8)
    x = jax.random.normal(ks[0], (N, H), dtype=jnp.float32)
    edge_index = jax.random.randint(ks[1], (2, E), 0, N, dtype=jnp.int32)
    edge_attr = jax.random.normal(ks[2], (E, ED), dtype=jnp.float32)
    # GINEConv params: edge projection (edge_dim -> hidden_dim), trainable eps
    W_e = jax.random.normal(ks[3], (H, ED), dtype=jnp.float32) * 0.05
    b_e = jnp.zeros((H,), dtype=jnp.float32)
    eps = jnp.zeros((), dtype=jnp.float32)
    # MLP: Linear(H, 2H) -> BN(2H) -> SiLU -> Dropout(0) -> Linear(2H, H)
    W1 = jax.random.normal(ks[4], (2 * H, H), dtype=jnp.float32) * 0.05
    b1 = jnp.zeros((2 * H,), dtype=jnp.float32)
    g1 = jnp.ones((2 * H,), dtype=jnp.float32)
    beta1 = jnp.zeros((2 * H,), dtype=jnp.float32)
    W2 = jax.random.normal(ks[5], (H, 2 * H), dtype=jnp.float32) * 0.05
    b2 = jnp.zeros((H,), dtype=jnp.float32)
    # outer BatchNorm1d(H)
    g_out = jnp.ones((H,), dtype=jnp.float32)
    beta_out = jnp.zeros((H,), dtype=jnp.float32)
    return {
        "x": x,
        "edge_index": edge_index,
        "edge_attr": edge_attr,
        "W_e": W_e,
        "b_e": b_e,
        "eps": eps,
        "W1": W1,
        "b1": b1,
        "g1": g1,
        "beta1": beta1,
        "W2": W2,
        "b2": b2,
        "g_out": g_out,
        "beta_out": beta_out,
    }


def _bn(z, g, b):
    # BatchNorm in training mode: biased batch statistics
    m = jnp.mean(z, axis=0)
    v = jnp.var(z, axis=0)
    return (z - m) / jnp.sqrt(v + 1e-5) * g + b


def reference(x, edge_index, edge_attr, W_e, b_e, eps, W1, b1, g1, beta1, W2, b2, g_out, beta_out):
    src = edge_index[0]
    dst = edge_index[1]
    # GINE message: ReLU(h_j + lin(e_ij)), gather on src
    msg = jax.nn.relu(x[src] + edge_attr @ W_e.T + b_e)
    # sum-aggregate to dst nodes (scatter-add)
    agg = jax.ops.segment_sum(msg, dst, num_segments=N)
    h0 = (1.0 + eps) * x + agg
    # MLP with internal BatchNorm
    z1 = h0 @ W1.T + b1
    a1 = jax.nn.silu(_bn(z1, g1, beta1))
    z2 = a1 @ W2.T + b2
    # outer BatchNorm, SiLU, Dropout(0.0) = identity
    h = _bn(z2, g_out, beta_out)
    return jax.nn.silu(h)

if __name__ == "__main__":
    import jax
    _d = setup_inputs()
    print(jax.jit(kernel)(*tuple(_d.values())))

</pallas_src>

<mosaic_0001>
#map = affine_map<(d0, d1) -> (0, 0)>
#map1 = affine_map<(d0, d1) -> (0)>
#map2 = affine_map<(d0, d1) -> (0, 0, 0)>
module attributes {stable_mosaic.version = 14 : i64} {
  func.func @_scatter(%arg0: i32, %arg1: i32, %arg2: memref<10000x128xf32, #tpu.memory_space<hbm>>, %arg3: memref<320000xi32, #tpu.memory_space<hbm>>, %arg4: memref<320000xi32, #tpu.memory_space<hbm>>, %arg5: memref<320000x128xf32, #tpu.memory_space<hbm>>, %arg6: memref<2x10000x128xf32, #tpu.memory_space<hbm>>, %arg7: memref<10000x128xf32, #tpu.memory_space<vmem_shared>>, %arg8: memref<80xi32, #tpu.memory_space<vmem>>, %arg9: memref<80xi32, #tpu.memory_space<vmem>>, %arg10: memref<80x128xf32, #tpu.memory_space<vmem>>, %arg11: memref<80x128xf32, #tpu.memory_space<vmem>>, %arg12: memref<80xi32, #tpu.memory_space<vmem>>, %arg13: memref<80xi32, #tpu.memory_space<vmem>>, %arg14: memref<80x128xf32, #tpu.memory_space<vmem>>, %arg15: memref<80x128xf32, #tpu.memory_space<vmem>>, %arg16: memref<!tpu.dma_semaphore, #tpu.memory_space<semaphore_mem>>, %arg17: memref<!tpu.dma_semaphore, #tpu.memory_space<semaphore_mem>>, %arg18: memref<!tpu.dma_semaphore, #tpu.memory_space<semaphore_mem>>, %arg19: memref<!tpu.dma_semaphore, #tpu.memory_space<semaphore_mem>>, %arg20: memref<!tpu.dma_semaphore, #tpu.memory_space<semaphore_mem>>, %arg21: memref<!tpu.dma_semaphore, #tpu.memory_space<semaphore_mem>>) attributes {dimension_semantics = [#tpu.dimension_semantics<core_parallel>, #tpu.dimension_semantics<subcore_parallel>], iteration_bounds = array<i64: 2, 16>, scalar_prefetch = 0 : i64, scratch_operands = 15 : i64, tpu.core_type = #tpu.core_type<sc_vector_subcore>, window_params = [{transform_indices = #map}, {transform_indices = #map1}, {transform_indices = #map1}, {transform_indices = #map}, {transform_indices = #map2}]} {
    %mul3A = arith.constant 2 : i32
    %mul3A_0 = arith.muli %arg1, %mul3A : i32
    %add3A = arith.addi %mul3A_0, %arg0 : i32
    %scan3A = arith.constant 0 : i32
    %scan3A_1 = arith.constant 0 : i32
    %scan3A_2 = arith.constant 80 : i32
    %scan3A_3 = arith.addi %scan3A_1, %scan3A_2 : i32
    %scan3A_4 = arith.constant 1 : i32
    %scan3A_5 = scf.for %scan3A_99 = %scan3A_1 to %scan3A_3 step %scan3A_4 iter_args(%scan3A_100 = %scan3A) -> (i32)  : i32 {
      %broadcast_in_dim3A = arith.constant 0.000000e+00 : f32
      %broadcast_in_dim3A_101 = vector.broadcast %broadcast_in_dim3A : f32 to vector<16xf32>
      %swap3A = arith.index_cast %scan3A_99 : i32 to index
      %swap3A_102 = arith.constant 0 : index
      %swap3A_103 = tpu.vector_load %arg10[%swap3A, %swap3A_102] {strides = array<i32>} : memref<80x128xf32, #tpu.memory_space<vmem>>, vector<1x16xf32>,
      %swap3A_104 = vector.shape_cast %swap3A_103 : vector<1x16xf32> to vector<16xf32>
      %swap3A_105 = vector.shape_cast %broadcast_in_dim3A_101 : vector<16xf32> to vector<1x16xf32>
      tpu.vector_store %arg10[%swap3A, %swap3A_102], %swap3A_105 {strides = array<i32>} : memref<80x128xf32, #tpu.memory_space<vmem>>, vector<1x16xf32>,
      %broadcast_in_dim3A_106 = arith.constant 0.000000e+00 : f32
      %broadcast_in_dim3A_107 = vector.broadcast %broadcast_in_dim3A_106 : f32 to vector<16xf32>
      %swap3A_108 = arith.index_cast %scan3A_99 : i32 to index
      %swap3A_109 = arith.constant 16 : index
      %swap3A_110 = tpu.vector_load %arg10[%swap3A_108, %swap3A_109] {strides = array<i32>} : memref<80x128xf32, #tpu.memory_space<vmem>>, vector<1x16xf32>,
      %swap3A_111 = vector.shape_cast %swap3A_110 : vector<1x16xf32> to vector<16xf32>
      %swap3A_112 = vector.shape_cast %broadcast_in_dim3A_107 : vector<16xf32> to vector<1x16xf32>
      tpu.vector_store %arg10[%swap3A_108, %swap3A_109], %swap3A_112 {strides = array<i32>} : memref<80x128xf32, #tpu.memory_space<vmem>>, vector<1x16xf32>,
      %broadcast_in_dim3A_113 = arith.constant 0.000000e+00 : f32
      %broadcast_in_dim3A_114 = vector.broadcast %broadcast_in_dim3A_113 : f32 to vector<16xf32>
      %swap3A_115 = arith.index_cast %scan3A_99 : i32 to index
      %swap3A_116 = arith.constant 32 : index
      %swap3A_117 = tpu.vector_load %arg10[%swap3A_115, %swap3A_116] {strides = array<i32>} : memref<80x128xf32, #tpu.memory_space<vmem>>, vector<1x16xf32>,
      %swap3A_118 = vector.shape_cast %swap3A_117 : vector<1x16xf32> to vector<16xf32>
      %swap3A_119 = vector.shape_cast %broadcast_in_dim3A_114 : vector<16xf32> to vector<1x16xf32>
      tpu.vector_store %arg10[%swap3A_115, %swap3A_116], %swap3A_119 {strides = array<i32>} : memref<80x128xf32, #tpu.memory_space<vmem>>, vector<1x16xf32>,
      %broadcast_in_dim3A_120 = arith.constant 0.000000e+00 : f32
      %broadcast_in_dim3A_121 = vector.broadcast %broadcast_in_dim3A_120 : f32 to vector<16xf32>
      %swap3A_122 = arith.index_cast %scan3A_99 : i32 to index
      %swap3A_123 = arith.constant 48 : index
      %swap3A_124 = tpu.vector_load %arg10[%swap3A_122, %swap3A_123] {strides = array<i32>} : memref<80x128xf32, #tpu.memory_space<vmem>>, vector<1x16xf32>,
      %swap3A_125 = vector.shape_cast %swap3A_124 : vector<1x16xf32> to vector<16xf32>
      %swap3A_126 = vector.shape_cast %broadcast_in_dim3A_121 : vector<16xf32> to vector<1x16xf32>
      tpu.vector_store %arg10[%swap3A_122, %swap3A_123], %swap3A_126 {strides = array<i32>} : memref<80x128xf32, #tpu.memory_space<vmem>>, vector<1x16xf32>,
      %broadcast_in_dim3A_127 = arith.constant 0.000000e+00 : f32
      %broadcast_in_dim3A_128 = vector.broadcast %broadcast_in_dim3A_127 : f32 to vector<16xf32>
      %swap3A_129 = arith.index_cast %scan3A_99 : i32 to index
      %swap3A_130 = arith.constant 64 : index
      %swap3A_131 = tpu.vector_load %arg10[%swap3A_129, %swap3A_130] {strides = array<i32>} : memref<80x128xf32, #tpu.memory_space<vmem>>, vector<1x16xf32>,
      %swap3A_132 = vector.shape_cast %swap3A_131 : vector<1x16xf32> to vector<16xf32>
      %swap3A_133 = vector.shape_cast %broadcast_in_dim3A_128 : vector<16xf32> to vector<1x16xf32>
      tpu.vector_store %arg10[%swap3A_129, %swap3A_130], %swap3A_133 {strides = array<i32>} : memref<80x128xf32, #tpu.memory_space<vmem>>, vector<1x16xf32>,
      %broadcast_in_dim3A_134 = arith.constant 0.000000e+00 : f32
      %broadcast_in_dim3A_135 = vector.broadcast %broadcast_in_dim3A_134 : f32 to vector<16xf32>
      %swap3A_136 = arith.index_cast %scan3A_99 : i32 to index
      %swap3A_137 = arith.constant 80 : index
      %swap3A_138 = tpu.vector_load %arg10[%swap3A_136, %swap3A_137] {strides = array<i32>} : memref<80x128xf32, #tpu.memory_space<vmem>>, vector<1x16xf32>,
      %swap3A_139 = vector.shape_cast %swap3A_138 : vector<1x16xf32> to vector<16xf32>
      %swap3A_140 = vector.shape_cast %broadcast_in_dim3A_135 : vector<16xf32> to vector<1x16xf32>
      tpu.vector_store %arg10[%swap3A_136, %swap3A_137], %swap3A_140 {strides = array<i32>} : memref<80x128xf32, #tpu.memory_space<vmem>>, vector<1x16xf32>,
      %broadcast_in_dim3A_141 = arith.constant 0.000000e+00 : f32
      %broadcast_in_dim3A_142 = vector.broadcast %broadcast_in_dim3A_141 : f32 to vector<16xf32>
      %swap3A_143 = arith.index_cast %scan3A_99 : i32 to index
      %swap3A_144 = arith.constant 96 : index
      %swap3A_145 = tpu.vector_load %arg10[%swap3A_143, %swap3A_144] {strides = array<i32>} : memref<80x128xf32, #tpu.memory_space<vmem>>, vector<1x16xf32>,
      %swap3A_146 = vector.shape_cast %swap3A_145 : vector<1x16xf32> to vector<16xf32>
      %swap3A_147 = vector.shape_cast %broadcast_in_dim3A_142 : vector<16xf32> to vector<1x16xf32>
      tpu.vector_store %arg10[%swap3A_143, %swap3A_144], %swap3A_147 {strides = array<i32>} : memref<80x128xf32, #tpu.memory_space<vmem>>, vector<1x16xf32>,
      %broadcast_in_dim3A_148 = arith.constant 0.000000e+00 : f32
      %broadcast_in_dim3A_149 = vector.broadcast %broadcast_in_dim3A_148 : f32 to vector<16xf32>
      %swap3A_150 = arith.index_cast %scan3A_99 : i32 to index
      %swap3A_151 = arith.constant 112 : index
      %swap3A_152 = tpu.vector_load %arg10[%swap3A_150, %swap3A_151] {strides = array<i32>} : memref<80x128xf32, #tpu.memory_space<vmem>>, vector<1x16xf32>,
      %swap3A_153 = vector.shape_cast %swap3A_152 : vector<1x16xf32> to vector<16xf32>
      %swap3A_154 = vector.shape_cast %broadcast_in_dim3A_149 : vector<16xf32> to vector<1x16xf32>
      tpu.vector_store %arg10[%swap3A_150, %swap3A_151], %swap3A_154 {strides = array<i32>} : memref<80x128xf32, #tpu.memory_space<vmem>>, vector<1x16xf32>,
      %scan3A_155 = arith.constant 0 : i32
      scf.yield %scan3A_155 : i32
    }
    %scan3A_6 = arith.constant 80 : i32
    %mul3A_7 = arith.constant 624 : i32
    %mul3A_8 = arith.muli %arg1, %mul3A_7 : i32
    %add3A_9 = arith.constant 0 : i32
    %add3A_10 = arith.addi %mul3A_8, %add3A_9 : i32
    "tpu.region"() ({
      %run_scoped3A = tpu.sem_alloc : memref<!tpu.dma_semaphore, #tpu.memory_space<semaphore_mem>>
      %dma_start3A_99 = arith.constant 0 : i32
      %dma_start3A_100 = tpu.memref_slice %arg7[%add3A_10, %dma_start3A_99] : memref<10000x128xf32, #tpu.memory_space<vmem_shared>> -> memref<80x128xf32, #tpu.memory_space<vmem_shared>>
      %dma_start3A_101 = arith.constant 0 : i32
      %dma_start3A_102 = tpu.memref_slice %arg7[%add3A_10, %dma_start3A_101] : memref<10000x128xf32, #tpu.memory_space<vmem_shared>> -> memref<80x128xf32, #tpu.memory_space<vmem_shared>>
      tpu.enqueue_dma source(%arg10 : memref<80x128xf32, #tpu.memory_space<vmem>>) target(%dma_start3A_102 : memref<80x128xf32, #tpu.memory_space<vmem_shared>>) target_semaphore(%run_scoped3A : memref<!tpu.dma_semaphore, #tpu.memory_space<semaphore_mem>>)
      %dma_wait3A_103 = arith.constant 0 : i32
      %dma_wait3A_104 = tpu.memref_slice %arg7[%add3A_10, %dma_wait3A_103] : memref<10000x128xf32, #tpu.memory_space<vmem_shared>> -> memref<80x128xf32, #tpu.memory_space<vmem_shared>>
      %dma_wait3A_105 = arith.constant 0 : i32
      %dma_wait3A_106 = tpu.memref_slice %arg7[%add3A_10, %dma_wait3A_105] : memref<10000x128xf32, #tpu.memory_space<vmem_shared>> -> memref<80x128xf32, #tpu.memory_space<vmem_shared>>
      tpu.wait_dma2 semaphore(%run_scoped3A : memref<!tpu.dma_semaphore, #tpu.memory_space<semaphore_mem>>) src(%arg10 : memref<80x128xf32, #tpu.memory_space<vmem>>) dst(%dma_wait3A_106 : memref<80x128xf32, #tpu.memory_space<vmem_shared>>)
      tpu.yield
    }) : () -> ()
    %mul3A_11 = arith.constant 624 : i32
    %mul3A_12 = arith.muli %arg1, %mul3A_11 : i32
    %add3A_13 = arith.constant 80 : i32
    %add3A_14 = arith.addi %mul3A_12, %add3A_13 : i32
    "tpu.region"() ({
      %run_scoped3A = tpu.sem_alloc : memref<!tpu.dma_semaphore, #tpu.memory_space<semaphore_mem>>
      %dma_start3A_99 = arith.constant 0 : i32
      %dma_start3A_100 = tpu.memref_slice %arg7[%add3A_14, %dma_start3A_99] : memref<10000x128xf32, #tpu.memory_space<vmem_shared>> -> memref<80x128xf32, #tpu.memory_space<vmem_shared>>
      %dma_start3A_101 = arith.constant 0 : i32
      %dma_start3A_102 = tpu.memref_slice %arg7[%add3A_14, %dma_start3A_101] : memref<10000x128xf32, #tpu.memory_space<vmem_shared>> -> memref<80x128xf32, #tpu.memory_space<vmem_shared>>
      tpu.enqueue_dma source(%arg10 : memref<80x128xf32, #tpu.memory_space<vmem>>) target(%dma_start3A_102 : memref<80x128xf32, #tpu.memory_space<vmem_shared>>) target_semaphore(%run_scoped3A : memref<!tpu.dma_semaphore, #tpu.memory_space<semaphore_mem>>)
      %dma_wait3A_103 = arith.constant 0 : i32
      %dma_wait3A_104 = tpu.memref_slice %arg7[%add3A_14, %dma_wait3A_103] : memref<10000x128xf32, #tpu.memory_space<vmem_shared>> -> memref<80x128xf32, #tpu.memory_space<vmem_shared>>
      %dma_wait3A_105 = arith.constant 0 : i32
      %dma_wait3A_106 = tpu.memref_slice %arg7[%add3A_14, %dma_wait3A_105] : memref<10000x128xf32, #tpu.memory_space<vmem_shared>> -> memref<80x128xf32, #tpu.memory_space<vmem_shared>>
      tpu.wait_dma2 semaphore(%run_scoped3A : memref<!tpu.dma_semaphore, #tpu.memory_space<semaphore_mem>>) src(%arg10 : memref<80x128xf32, #tpu.memory_space<vmem>>) dst(%dma_wait3A_106 : memref<80x128xf32, #tpu.memory_space<vmem_shared>>)
      tpu.yield
    }) : () -> ()
    %mul3A_15 = arith.constant 624 : i32
    %mul3A_16 = arith.muli %arg1, %mul3A_15 : i32
    %add3A_17 = arith.constant 160 : i32
    %add3A_18 = arith.addi %mul3A_16, %add3A_17 : i32
    "tpu.region"() ({
      %run_scoped3A = tpu.sem_alloc : memref<!tpu.dma_semaphore, #tpu.memory_space<semaphore_mem>>
      %dma_start3A_99 = arith.constant 0 : i32
      %dma_start3A_100 = tpu.memref_slice %arg7[%add3A_18, %dma_start3A_99] : memref<10000x128xf32, #tpu.memory_space<vmem_shared>> -> memref<80x128xf32, #tpu.memory_space<vmem_shared>>
      %dma_start3A_101 = arith.constant 0 : i32
      %dma_start3A_102 = tpu.memref_slice %arg7[%add3A_18, %dma_start3A_101] : memref<10000x128xf32, #tpu.memory_space<vmem_shared>> -> memref<80x128xf32, #tpu.memory_space<vmem_shared>>
      tpu.enqueue_dma source(%arg10 : memref<80x128xf32, #tpu.memory_space<vmem>>) target(%dma_start3A_102 : memref<80x128xf32, #tpu.memory_space<vmem_shared>>) target_semaphore(%run_scoped3A : memref<!tpu.dma_semaphore, #tpu.memory_space<semaphore_mem>>)
      %dma_wait3A_103 = arith.constant 0 : i32
      %dma_wait3A_104 = tpu.memref_slice %arg7[%add3A_18, %dma_wait3A_103] : memref<10000x128xf32, #tpu.memory_space<vmem_shared>> -> memref<80x128xf32, #tpu.memory_space<vmem_shared>>
      %dma_wait3A_105 = arith.constant 0 : i32
      %dma_wait3A_106 = tpu.memref_slice %arg7[%add3A_18, %dma_wait3A_105] : memref<10000x128xf32, #tpu.memory_space<vmem_shared>> -> memref<80x128xf32, #tpu.memory_space<vmem_shared>>
      tpu.wait_dma2 semaphore(%run_scoped3A : memref<!tpu.dma_semaphore, #tpu.memory_space<semaphore_mem>>) src(%arg10 : memref<80x128xf32, #tpu.memory_space<vmem>>) dst(%dma_wait3A_106 : memref<80x128xf32, #tpu.memory_space<vmem_shared>>)
      tpu.yield
    }) : () -> ()
    %mul3A_19 = arith.constant 624 : i32
    %mul3A_20 = arith.muli %arg1, %mul3A_19 : i32
    %add3A_21 = arith.constant 240 : i32
    %add3A_22 = arith.addi %mul3A_20, %add3A_21 : i32
    "tpu.region"() ({
      %run_scoped3A = tpu.sem_alloc : memref<!tpu.dma_semaphore, #tpu.memory_space<semaphore_mem>>
      %dma_start3A_99 = arith.constant 0 : i32
      %dma_start3A_100 = tpu.memref_slice %arg7[%add3A_22, %dma_start3A_99] : memref<10000x128xf32, #tpu.memory_space<vmem_shared>> -> memref<80x128xf32, #tpu.memory_space<vmem_shared>>
      %dma_start3A_101 = arith.constant 0 : i32
      %dma_start3A_102 = tpu.memref_slice %arg7[%add3A_22, %dma_start3A_101] : memref<10000x128xf32, #tpu.memory_space<vmem_shared>> -> memref<80x128xf32, #tpu.memory_space<vmem_shared>>
      tpu.enqueue_dma source(%arg10 : memref<80x128xf32, #tpu.memory_space<vmem>>) target(%dma_start3A_102 : memref<80x128xf32, #tpu.memory_space<vmem_shared>>) target_semaphore(%run_scoped3A : memref<!tpu.dma_semaphore, #tpu.memory_space<semaphore_mem>>)
      %dma_wait3A_103 = arith.constant 0 : i32
      %dma_wait3A_104 = tpu.memref_slice %arg7[%add3A_22, %dma_wait3A_103] : memref<10000x128xf32, #tpu.memory_space<vmem_shared>> -> memref<80x128xf32, #tpu.memory_space<vmem_shared>>
      %dma_wait3A_105 = arith.constant 0 : i32
      %dma_wait3A_106 = tpu.memref_slice %arg7[%add3A_22, %dma_wait3A_105] : memref<10000x128xf32, #tpu.memory_space<vmem_shared>> -> memref<80x128xf32, #tpu.memory_space<vmem_shared>>
      tpu.wait_dma2 semaphore(%run_scoped3A : memref<!tpu.dma_semaphore, #tpu.memory_space<semaphore_mem>>) src(%arg10 : memref<80x128xf32, #tpu.memory_space<vmem>>) dst(%dma_wait3A_106 : memref<80x128xf32, #tpu.memory_space<vmem_shared>>)
      tpu.yield
    }) : () -> ()
    %mul3A_23 = arith.constant 624 : i32
    %mul3A_24 = arith.muli %arg1, %mul3A_23 : i32
    %add3A_25 = arith.constant 320 : i32
    %add3A_26 = arith.addi %mul3A_24, %add3A_25 : i32
    "tpu.region"() ({
      %run_scoped3A = tpu.sem_alloc : memref<!tpu.dma_semaphore, #tpu.memory_space<semaphore_mem>>
      %dma_start3A_99 = arith.constant 0 : i32
      %dma_start3A_100 = tpu.memref_slice %arg7[%add3A_26, %dma_start3A_99] : memref<10000x128xf32, #tpu.memory_space<vmem_shared>> -> memref<80x128xf32, #tpu.memory_space<vmem_shared>>
      %dma_start3A_101 = arith.constant 0 : i32
      %dma_start3A_102 = tpu.memref_slice %arg7[%add3A_26, %dma_start3A_101] : memref<10000x128xf32, #tpu.memory_space<vmem_shared>> -> memref<80x128xf32, #tpu.memory_space<vmem_shared>>
      tpu.enqueue_dma source(%arg10 : memref<80x128xf32, #tpu.memory_space<vmem>>) target(%dma_start3A_102 : memref<80x128xf32, #tpu.memory_space<vmem_shared>>) target_semaphore(%run_scoped3A : memref<!tpu.dma_semaphore, #tpu.memory_space<semaphore_mem>>)
      %dma_wait3A_103 = arith.constant 0 : i32
      %dma_wait3A_104 = tpu.memref_slice %arg7[%add3A_26, %dma_wait3A_103] : memref<10000x128xf32, #tpu.memory_space<vmem_shared>> -> memref<80x128xf32, #tpu.memory_space<vmem_shared>>
      %dma_wait3A_105 = arith.constant 0 : i32
      %dma_wait3A_106 = tpu.memref_slice %arg7[%add3A_26, %dma_wait3A_105] : memref<10000x128xf32, #tpu.memory_space<vmem_shared>> -> memref<80x128xf32, #tpu.memory_space<vmem_shared>>
      tpu.wait_dma2 semaphore(%run_scoped3A : memref<!tpu.dma_semaphore, #tpu.memory_space<semaphore_mem>>) src(%arg10 : memref<80x128xf32, #tpu.memory_space<vmem>>) dst(%dma_wait3A_106 : memref<80x128xf32, #tpu.memory_space<vmem_shared>>)
      tpu.yield
    }) : () -> ()
    %mul3A_27 = arith.constant 624 : i32
    %mul3A_28 = arith.muli %arg1, %mul3A_27 : i32
    %add3A_29 = arith.constant 400 : i32
    %add3A_30 = arith.addi %mul3A_28, %add3A_29 : i32
    "tpu.region"() ({
      %run_scoped3A = tpu.sem_alloc : memref<!tpu.dma_semaphore, #tpu.memory_space<semaphore_mem>>
      %dma_start3A_99 = arith.constant 0 : i32
      %dma_start3A_100 = tpu.memref_slice %arg7[%add3A_30, %dma_start3A_99] : memref<10000x128xf32, #tpu.memory_space<vmem_shared>> -> memref<80x128xf32, #tpu.memory_space<vmem_shared>>
      %dma_start3A_101 = arith.constant 0 : i32
      %dma_start3A_102 = tpu.memref_slice %arg7[%add3A_30, %dma_start3A_101] : memref<10000x128xf32, #tpu.memory_space<vmem_shared>> -> memref<80x128xf32, #tpu.memory_space<vmem_shared>>
      tpu.enqueue_dma source(%arg10 : memref<80x128xf32, #tpu.memory_space<vmem>>) target(%dma_start3A_102 : memref<80x128xf32, #tpu.memory_space<vmem_shared>>) target_semaphore(%run_scoped3A : memref<!tpu.dma_semaphore, #tpu.memory_space<semaphore_mem>>)
      %dma_wait3A_103 = arith.constant 0 : i32
      %dma_wait3A_104 = tpu.memref_slice %arg7[%add3A_30, %dma_wait3A_103] : memref<10000x128xf32, #tpu.memory_space<vmem_shared>> -> memref<80x128xf32, #tpu.memory_space<vmem_shared>>
      %dma_wait3A_105 = arith.constant 0 : i32
      %dma_wait3A_106 = tpu.memref_slice %arg7[%add3A_30, %dma_wait3A_105] : memref<10000x128xf32, #tpu.memory_space<vmem_shared>> -> memref<80x128xf32, #tpu.memory_space<vmem_shared>>
      tpu.wait_dma2 semaphore(%run_scoped3A : memref<!tpu.dma_semaphore, #tpu.memory_space<semaphore_mem>>) src(%arg10 : memref<80x128xf32, #tpu.memory_space<vmem>>) dst(%dma_wait3A_106 : memref<80x128xf32, #tpu.memory_space<vmem_shared>>)
      tpu.yield
    }) : () -> ()
    %mul3A_31 = arith.constant 624 : i32
    %mul3A_32 = arith.muli %arg1, %mul3A_31 : i32
    %add3A_33 = arith.constant 480 : i32
    %add3A_34 = arith.addi %mul3A_32, %add3A_33 : i32
    "tpu.region"() ({
      %run_scoped3A = tpu.sem_alloc : memref<!tpu.dma_semaphore, #tpu.memory_space<semaphore_mem>>
      %dma_start3A_99 = arith.constant 0 : i32
      %dma_start3A_100 = tpu.memref_slice %arg7[%add3A_34, %dma_start3A_99] : memref<10000x128xf32, #tpu.memory_space<vmem_shared>> -> memref<80x128xf32, #tpu.memory_space<vmem_shared>>
      %dma_start3A_101 = arith.constant 0 : i32
      %dma_start3A_102 = tpu.memref_slice %arg7[%add3A_34, %dma_start3A_101] : memref<10000x128xf32, #tpu.memory_space<vmem_shared>> -> memref<80x128xf32, #tpu.memory_space<vmem_shared>>
      tpu.enqueue_dma source(%arg10 : memref<80x128xf32, #tpu.memory_space<vmem>>) target(%dma_start3A_102 : memref<80x128xf32, #tpu.memory_space<vmem_shared>>) target_semaphore(%run_scoped3A : memref<!tpu.dma_semaphore, #tpu.memory_space<semaphore_mem>>)
      %dma_wait3A_103 = arith.constant 0 : i32
      %dma_wait3A_104 = tpu.memref_slice %arg7[%add3A_34, %dma_wait3A_103] : memref<10000x128xf32, #tpu.memory_space<vmem_shared>> -> memref<80x128xf32, #tpu.memory_space<vmem_shared>>
      %dma_wait3A_105 = arith.constant 0 : i32
      %dma_wait3A_106 = tpu.memref_slice %arg7[%add3A_34, %dma_wait3A_105] : memref<10000x128xf32, #tpu.memory_space<vmem_shared>> -> memref<80x128xf32, #tpu.memory_space<vmem_shared>>
      tpu.wait_dma2 semaphore(%run_scoped3A : memref<!tpu.dma_semaphore, #tpu.memory_space<semaphore_mem>>) src(%arg10 : memref<80x128xf32, #tpu.memory_space<vmem>>) dst(%dma_wait3A_106 : memref<80x128xf32, #tpu.memory_space<vmem_shared>>)
      tpu.yield
    }) : () -> ()
    %mul3A_35 = arith.constant 624 : i32
    %mul3A_36 = arith.muli %arg1, %mul3A_35 : i32
    %add3A_37 = arith.constant 560 : i32
    %add3A_38 = arith.addi %mul3A_36, %add3A_37 : i32
    "tpu.region"() ({
      %run_scoped3A = tpu.sem_alloc : memref<!tpu.dma_semaphore, #tpu.memory_space<semaphore_mem>>
      %dma_start3A_99 = arith.constant 0 : i32
      %dma_start3A_100 = arith.constant 0 : i32
      %dma_start3A_101 = tpu.memref_slice %arg10[%dma_start3A_99, %dma_start3A_100] : memref<80x128xf32, #tpu.memory_space<vmem>> -> memref<64x128xf32, #tpu.memory_space<vmem>>
      %dma_start3A_102 = arith.constant 0 : i32
      %dma_start3A_103 = tpu.memref_slice %arg7[%add3A_38, %dma_start3A_102] : memref<10000x128xf32, #tpu.memory_space<vmem_shared>> -> memref<64x128xf32, #tpu.memory_space<vmem_shared>>
      %dma_start3A_104 = arith.constant 0 : i32
      %dma_start3A_105 = tpu.memref_slice %arg7[%add3A_38, %dma_start3A_104] : memref<10000x128xf32, #tpu.memory_space<vmem_shared>> -> memref<64x128xf32, #tpu.memory_space<vmem_shared>>
      %dma_start3A_106 = arith.constant 0 : i32
      %dma_start3A_107 = arith.constant 0 : i32
      %dma_start3A_108 = tpu.memref_slice %arg10[%dma_start3A_106, %dma_start3A_107] : memref<80x128xf32, #tpu.memory_space<vmem>> -> memref<64x128xf32, #tpu.memory_space<vmem>>
      tpu.enqueue_dma source(%dma_start3A_108 : memref<64x128xf32, #tpu.memory_space<vmem>>) target(%dma_start3A_105 : memref<64x128xf32, #tpu.memory_space<vmem_shared>>) target_semaphore(%run_scoped3A : memref<!tpu.dma_semaphore, #tpu.memory_space<semaphore_mem>>)
      %dma_wait3A_109 = arith.constant 0 : i32
      %dma_wait3A_110 = arith.constant 0 : i32
      %dma_wait3A_111 = tpu.memref_slice %arg10[%dma_wait3A_109, %dma_wait3A_110] : memref<80x128xf32, #tpu.memory_space<vmem>> -> memref<64x128xf32, #tpu.memory_space<vmem>>
      %dma_wait3A_112 = arith.constant 0 : i32
      %dma_wait3A_113 = tpu.memref_slice %arg7[%add3A_38, %dma_wait3A_112] : memref<10000x128xf32, #tpu.memory_space<vmem_shared>> -> memref<64x128xf32, #tpu.memory_space<vmem_shared>>
      %dma_wait3A_114 = arith.constant 0 : i32
      %dma_wait3A_115 = tpu.memref_slice %arg7[%add3A_38, %dma_wait3A_114] : memref<10000x128xf32, #tpu.memory_space<vmem_shared>> -> memref<64x128xf32, #tpu.memory_space<vmem_shared>>
      %dma_wait3A_116 = arith.constant 0 : i32
      %dma_wait3A_117 = arith.constant 0 : i32
      %dma_wait3A_118 = tpu.memref_slice %arg10[%dma_wait3A_116, %dma_wait3A_117] : memref<80x128xf32, #tpu.memory_space<vmem>> -> memref<64x128xf32, #tpu.memory_space<vmem>>
      tpu.wait_dma2 semaphore(%run_scoped3A : memref<!tpu.dma_semaphore, #tpu.memory_space<semaphore_mem>>) src(%dma_wait3A_118 : memref<64x128xf32, #tpu.memory_space<vmem>>) dst(%dma_wait3A_115 : memref<64x128xf32, #tpu.memory_space<vmem_shared>>)
      tpu.yield
    }) : () -> ()
    %eq3A = arith.constant 0 : i32
    %eq3A_39 = arith.cmpi eq, %arg1, %eq3A : i32
    %convert_element_type3A = arith.extui %eq3A_39 : i1 to i32
    %cond3A = arith.constant 0 : i32
    %cond3A_40 = arith.cmpi ne, %convert_element_type3A, %cond3A : i32
    scf.if %cond3A_40 {
      "tpu.region"() ({
        %run_scoped3A = tpu.sem_alloc : memref<!tpu.dma_semaphore, #tpu.memory_space<semaphore_mem>>
        %dma_start3A_99 = arith.constant 0 : i32
        %dma_start3A_100 = arith.constant 0 : i32
        %dma_start3A_101 = tpu.memref_slice %arg10[%dma_start3A_99, %dma_start3A_100] : memref<80x128xf32, #tpu.memory_space<vmem>> -> memref<16x128xf32, #tpu.memory_space<vmem>>
        %dma_start3A_102 = arith.constant 9984 : i32
        %dma_start3A_103 = arith.constant 0 : i32
        %dma_start3A_104 = tpu.memref_slice %arg7[%dma_start3A_102, %dma_start3A_103] : memref<10000x128xf32, #tpu.memory_space<vmem_shared>> -> memref<16x128xf32, #tpu.memory_space<vmem_shared>>
        %dma_start3A_105 = arith.constant 9984 : i32
        %dma_start3A_106 = arith.constant 0 : i32
        %dma_start3A_107 = tpu.memref_slice %arg7[%dma_start3A_105, %dma_start3A_106] : memref<10000x128xf32, #tpu.memory_space<vmem_shared>> -> memref<16x128xf32, #tpu.memory_space<vmem_shared>>
        %dma_start3A_108 = arith.constant 0 : i32
        %dma_start3A_109 = arith.constant 0 : i32
        %dma_start3A_110 = tpu.memref_slice %arg10[%dma_start3A_108, %dma_start3A_109] : memref<80x128xf32, #tpu.memory_space<vmem>> -> memref<16x128xf32, #tpu.memory_space<vmem>>
        tpu.enqueue_dma source(%dma_start3A_110 : memref<16x128xf32, #tpu.memory_space<vmem>>) target(%dma_start3A_107 : memref<16x128xf32, #tpu.memory_space<vmem_shared>>) target_semaphore(%run_scoped3A : memref<!tpu.dma_semaphore, #tpu.memory_space<semaphore_mem>>)
        %dma_wait3A_111 = arith.constant 0 : i32
        %dma_wait3A_112 = arith.constant 0 : i32
        %dma_wait3A_113 = tpu.memref_slice %arg10[%dma_wait3A_111, %dma_wait3A_112] : memref<80x128xf32, #tpu.memory_space<vmem>> -> memref<16x128xf32, #tpu.memory_space<vmem>>
        %dma_wait3A_114 = arith.constant 9984 : i32
        %dma_wait3A_115 = arith.constant 0 : i32
        %dma_wait3A_116 = tpu.memref_slice %arg7[%dma_wait3A_114, %dma_wait3A_115] : memref<10000x128xf32, #tpu.memory_space<vmem_shared>> -> memref<16x128xf32, #tpu.memory_space<vmem_shared>>
        %dma_wait3A_117 = arith.constant 9984 : i32
        %dma_wait3A_118 = arith.constant 0 : i32
        %dma_wait3A_119 = tpu.memref_slice %arg7[%dma_wait3A_117, %dma_wait3A_118] : memref<10000x128xf32, #tpu.memory_space<vmem_shared>> -> memref<16x128xf32, #tpu.memory_space<vmem_shared>>
        %dma_wait3A_120 = arith.constant 0 : i32
        %dma_wait3A_121 = arith.constant 0 : i32
        %dma_wait3A_122 = tpu.memref_slice %arg10[%dma_wait3A_120, %dma_wait3A_121] : memref<80x128xf32, #tpu.memory_space<vmem>> -> memref<16x128xf32, #tpu.memory_space<vmem>>
        tpu.wait_dma2 semaphore(%run_scoped3A : memref<!tpu.dma_semaphore, #tpu.memory_space<semaphore_mem>>) src(%dma_wait3A_122 : memref<16x128xf32, #tpu.memory_space<vmem>>) dst(%dma_wait3A_119 : memref<16x128xf32, #tpu.memory_space<vmem_shared>>)
        tpu.yield
      }) : () -> ()
    } else {
    }
    %barrier3A = arith.constant 0 : index
    tpu.barrier barrier_id(%barrier3A)
    %add3A_41 = arith.constant 0 : i32
    %add3A_42 = arith.addi %add3A, %add3A_41 : i32
    %mul3A_43 = arith.constant 80 : i32
    %mul3A_44 = arith.muli %add3A_42, %mul3A_43 : i32
    %dma_start3A = tpu.memref_slice %arg3[%mul3A_44] : memref<320000xi32, #tpu.memory_space<hbm>> -> memref<80xi32, #tpu.memory_space<hbm>>
    %dma_start3A_45 = tpu.memref_slice %arg3[%mul3A_44] : memref<320000xi32, #tpu.memory_space<hbm>> -> memref<80xi32, #tpu.memory_space<hbm>>
    tpu.enqueue_dma source(%dma_start3A_45 : memref<80xi32, #tpu.memory_space<hbm>>) target(%arg8 : memref<80xi32, #tpu.memory_space<vmem>>) target_semaphore(%arg16 : memref<!tpu.dma_semaphore, #tpu.memory_space<semaphore_mem>>)
    %add3A_46 = arith.constant 0 : i32
    %add3A_47 = arith.addi %add3A, %add3A_46 : i32
    %mul3A_48 = arith.constant 80 : i32
    %mul3A_49 = arith.muli %add3A_47, %mul3A_48 : i32
    %dma_start3A_50 = tpu.memref_slice %arg4[%mul3A_49] : memref<320000xi32, #tpu.memory_space<hbm>> -> memref<80xi32, #tpu.memory_space<hbm>>
    %dma_start3A_51 = tpu.memref_slice %arg4[%mul3A_49] : memref<320000xi32, #tpu.memory_space<hbm>> -> memref<80xi32, #tpu.memory_space<hbm>>
    tpu.enqueue_dma source(%dma_start3A_51 : memref<80xi32, #tpu.memory_space<hbm>>) target(%arg9 : memref<80xi32, #tpu.memory_space<vmem>>) target_semaphore(%arg16 : memref<!tpu.dma_semaphore, #tpu.memory_space<semaphore_mem>>)
    %dma_wait3A = arith.constant 0 : i32
    %dma_wait3A_52 = tpu.memref_slice %arg3[%dma_wait3A] : memref<320000xi32, #tpu.memory_space<hbm>> -> memref<80xi32, #tpu.memory_space<hbm>>
    %dma_wait3A_53 = arith.constant 0 : i32
    %dma_wait3A_54 = tpu.memref_slice %arg3[%dma_wait3A_53] : memref<320000xi32, #tpu.memory_space<hbm>> -> memref<80xi32, #tpu.memory_space<hbm>>
    tpu.wait_dma2 semaphore(%arg16 : memref<!tpu.dma_semaphore, #tpu.memory_space<semaphore_mem>>) src(%dma_wait3A_54 : memref<80xi32, #tpu.memory_space<hbm>>) dst(%arg8 : memref<80xi32, #tpu.memory_space<vmem>>)
    %dma_wait3A_55 = arith.constant 0 : i32
    %dma_wait3A_56 = tpu.memref_slice %arg4[%dma_wait3A_55] : memref<320000xi32, #tpu.memory_space<hbm>> -> memref<80xi32, #tpu.memory_space<hbm>>
    %dma_wait3A_57 = arith.constant 0 : i32
    %dma_wait3A_58 = tpu.memref_slice %arg4[%dma_wait3A_57] : memref<320000xi32, #tpu.memory_space<hbm>> -> memref<80xi32, #tpu.memory_space<hbm>>
    tpu.wait_dma2 semaphore(%arg16 : memref<!tpu.dma_semaphore, #tpu.memory_space<semaphore_mem>>) src(%dma_wait3A_58 : memref<80xi32, #tpu.memory_space<hbm>>) dst(%arg9 : memref<80xi32, #tpu.memory_space<vmem>>)
    %add3A_59 = arith.constant 0 : i32
    %add3A_60 = arith.addi %add3A, %add3A_59 : i32
    %mul3A_61 = arith.constant 80 : i32
    %mul3A_62 = arith.muli %add3A_60, %mul3A_61 : i32
    %dma_start3A_63 = arith.constant 0 : i32
    %dma_start3A_64 = tpu.memref_slice %arg5[%mul3A_62, %dma_start3A_63] : memref<320000x128xf32, #tpu.memory_space<hbm>> -> memref<80x128xf32, #tpu.memory_space<hbm>>
    %dma_start3A_65 = arith.constant 0 : i32
    %dma_start3A_66 = tpu.memref_slice %arg5[%mul3A_62, %dma_start3A_65] : memref<320000x128xf32, #tpu.memory_space<hbm>> -> memref<80x128xf32, #tpu.memory_space<hbm>>
    tpu.enqueue_dma source(%dma_start3A_66 : memref<80x128xf32, #tpu.memory_space<hbm>>) target(%arg11 : memref<80x128xf32, #tpu.memory_space<vmem>>) target_semaphore(%arg18 : memref<!tpu.dma_semaphore, #tpu.memory_space<semaphore_mem>>)
    %dma_start3A_67 = arith.constant 0 : i32
    %dma_start3A_68 = arith.constant 0 : i32
    %dma_start3A_69 = tpu.memref_slice %arg2[%dma_start3A_67, %dma_start3A_68] : memref<10000x128xf32, #tpu.memory_space<hbm>> -> memref<10000x128xf32, #tpu.memory_space<hbm>>
    tpu.enqueue_indirect_dma source(%dma_start3A_69 : memref<10000x128xf32, #tpu.memory_space<hbm>>) target(%arg10 : memref<80x128xf32, #tpu.memory_space<vmem>>) offsets(%arg8 : memref<80xi32, #tpu.memory_space<vmem>>) semaphore(%arg17 : memref<!tpu.dma_semaphore, #tpu.memory_space<semaphore_mem>>)
    %add3A_70 = arith.constant 32 : i32
    %add3A_71 = arith.addi %add3A, %add3A_70 : i32
    %mul3A_72 = arith.constant 80 : i32
    %mul3A_73 = arith.muli %add3A_71, %mul3A_72 : i32
    %dma_start3A_74 = tpu.memref_slice %arg3[%mul3A_73] : memref<320000xi32, #tpu.memory_space<hbm>> -> memref<80xi32, #tpu.memory_space<hbm>>
    %dma_start3A_75 = tpu.memref_slice %arg3[%mul3A_73] : memref<320000xi32, #tpu.memory_space<hbm>> -> memref<80xi32, #tpu.memory_space<hbm>>
    tpu.enqueue_dma source(%dma_start3A_75 : memref<80xi32, #tpu.memory_space<hbm>>) target(%arg12 : memref<80xi32, #tpu.memory_space<vmem>>) target_semaphore(%arg19 : memref<!tpu.dma_semaphore, #tpu.memory_space<semaphore_mem>>)
    %add3A_76 = arith.constant 32 : i32
    %add3A_77 = arith.addi %add3A, %add3A_76 : i32
    %mul3A_78 = arith.constant 80 : i32
    %mul3A_79 = arith.muli %add3A_77, %mul3A_78 : i32
    %dma_start3A_80 = tpu.memref_slice %arg4[%mul3A_79] : memref<320000xi32, #tpu.memory_space<hbm>> -> memref<80xi32, #tpu.memory_space<hbm>>
    %dma_start3A_81 = tpu.memref_slice %arg4[%mul3A_79] : memref<320000xi32, #tpu.memory_space<hbm>> -> memref<80xi32, #tpu.memory_space<hbm>>
    tpu.enqueue_dma source(%dma_start3A_81 : memref<80xi32, #tpu.memory_space<hbm>>) target(%arg13 : memref<80xi32, #tpu.memory_space<vmem>>) target_semaphore(%arg19 : memref<!tpu.dma_semaphore, #tpu.memory_space<semaphore_mem>>)
    %scan3A_82 = arith.constant 0 : i32
    %scan3A_83 = arith.constant 0 : i32
    %scan3A_84 = arith.constant 63 : i32
    %scan3A_85 = arith.addi %scan3A_83, %scan3A_84 : i32
    %scan3A_86 = arith.constant 1 : i32
    %scan3A_87 = scf.for %scan3A_99 = %scan3A_83 to %scan3A_85 step %scan3A_86 iter_args(%scan3A_100 = %scan3A_82) -> (i32)  : i32 {
      %mul3A_101 = arith.constant 2 : i32
      %mul3A_102 = arith.muli %mul3A_101, %scan3A_99 : i32
      %add3A_103 = arith.constant 0 : i32
      %add3A_104 = arith.addi %mul3A_102, %add3A_103 : i32
      %add3A_105 = arith.constant 1 : i32
      %add3A_106 = arith.addi %add3A_104, %add3A_105 : i32
      %lt3A = arith.constant 125 : i32
      %lt3A_107 = arith.cmpi slt, %add3A_106, %lt3A : i32
      %convert_element_type3A_108 = arith.extui %lt3A_107 : i1 to i32
      %cond3A_109 = arith.constant 0 : i32
      %cond3A_110 = arith.cmpi ne, %convert_element_type3A_108, %cond3A_109 : i32
      scf.if %cond3A_110 {
        %dma_wait3A_147 = arith.constant 0 : i32
        %dma_wait3A_148 = tpu.memref_slice %arg3[%dma_wait3A_147] : memref<320000xi32, #tpu.memory_space<hbm>> -> memref<80xi32, #tpu.memory_space<hbm>>
        %dma_wait3A_149 = arith.constant 0 : i32
        %dma_wait3A_150 = tpu.memref_slice %arg3[%dma_wait3A_149] : memref<320000xi32, #tpu.memory_space<hbm>> -> memref<80xi32, #tpu.memory_space<hbm>>
        tpu.wait_dma2 semaphore(%arg19 : memref<!tpu.dma_semaphore, #tpu.memory_space<semaphore_mem>>) src(%dma_wait3A_150 : memref<80xi32, #tpu.memory_space<hbm>>) dst(%arg12 : memref<80xi32, #tpu.memory_space<vmem>>)
        %dma_wait3A_151 = arith.constant 0 : i32
        %dma_wait3A_152 = tpu.memref_slice %arg4[%dma_wait3A_151] : memref<320000xi32, #tpu.memory_space<hbm>> -> memref<80xi32, #tpu.memory_space<hbm>>
        %dma_wait3A_153 = arith.constant 0 : i32
        %dma_wait3A_154 = tpu.memref_slice %arg4[%dma_wait3A_153] : memref<320000xi32, #tpu.memory_space<hbm>> -> memref<80xi32, #tpu.memory_space<hbm>>
        tpu.wait_dma2 semaphore(%arg19 : memref<!tpu.dma_semaphore, #tpu.memory_space<semaphore_mem>>) src(%dma_wait3A_154 : memref<80xi32, #tpu.memory_space<hbm>>) dst(%arg13 : memref<80xi32, #tpu.memory_space<vmem>>)
        %add3A_155 = arith.constant 1 : i32
        %add3A_156 = arith.addi %add3A_104, %add3A_155 : i32
        %mul3A_157 = arith.constant 32 : i32
        %mul3A_158 = arith.muli %add3A_156, %mul3A_157 : i32
        %add3A_159 = arith.addi %add3A, %mul3A_158 : i32
        %mul3A_160 = arith.constant 80 : i32
        %mul3A_161 = arith.muli %add3A_159, %mul3A_160 : i32
        %dma_start3A_162 = arith.constant 0 : i32
        %dma_start3A_163 = tpu.memref_slice %arg5[%mul3A_161, %dma_start3A_162] : memref<320000x128xf32, #tpu.memory_space<hbm>> -> memref<80x128xf32, #tpu.memory_space<hbm>>
        %dma_start3A_164 = arith.constant 0 : i32
        %dma_start3A_165 = tpu.memref_slice %arg5[%mul3A_161, %dma_start3A_164] : memref<320000x128xf32, #tpu.memory_space<hbm>> -> memref<80x128xf32, #tpu.memory_space<hbm>>
        tpu.enqueue_dma source(%dma_start3A_165 : memref<80x128xf32, #tpu.memory_space<hbm>>) target(%arg15 : memref<80x128xf32, #tpu.memory_space<vmem>>) target_semaphore(%arg21 : memref<!tpu.dma_semaphore, #tpu.memory_space<semaphore_mem>>)
        %dma_start3A_166 = arith.constant 0 : i32
        %dma_start3A_167 = arith.constant 0 : i32
        %dma_start3A_168 = tpu.memref_slice %arg2[%dma_start3A_166, %dma_start3A_167] : memref<10000x128xf32, #tpu.memory_space<hbm>> -> memref<10000x128xf32, #tpu.memory_space<hbm>>
        tpu.enqueue_indirect_dma source(%dma_start3A_168 : memref<10000x128xf32, #tpu.memory_space<hbm>>) target(%arg14 : memref<80x128xf32, #tpu.memory_space<vmem>>) offsets(%arg12 : memref<80xi32, #tpu.memory_space<vmem>>) semaphore(%arg20 : memref<!tpu.dma_semaphore, #tpu.memory_space<semaphore_mem>>)
      } else {
      }
      %lt3A_111 = arith.constant 125 : i32
      %lt3A_112 = arith.cmpi slt, %add3A_104, %lt3A_111 : i32
      %convert_element_type3A_113 = arith.extui %lt3A_112 : i1 to i32
      %cond3A_114 = arith.constant 0 : i32
      %cond3A_115 = arith.cmpi ne, %convert_element_type3A_113, %cond3A_114 : i32
      scf.if %cond3A_115 {
        %dma_wait3A_147 = arith.constant 0 : i32
        %dma_wait3A_148 = arith.constant 0 : i32
        %dma_wait3A_149 = tpu.memref_slice %arg5[%dma_wait3A_147, %dma_wait3A_148] : memref<320000x128xf32, #tpu.memory_space<hbm>> -> memref<80x128xf32, #tpu.memory_space<hbm>>
        %dma_wait3A_150 = arith.constant 0 : i32
        %dma_wait3A_151 = arith.constant 0 : i32
        %dma_wait3A_152 = tpu.memref_slice %arg5[%dma_wait3A_150, %dma_wait3A_151] : memref<320000x128xf32, #tpu.memory_space<hbm>> -> memref<80x128xf32, #tpu.memory_space<hbm>>
        tpu.wait_dma2 semaphore(%arg18 : memref<!tpu.dma_semaphore, #tpu.memory_space<semaphore_mem>>) src(%dma_wait3A_152 : memref<80x128xf32, #tpu.memory_space<hbm>>) dst(%arg11 : memref<80x128xf32, #tpu.memory_space<vmem>>)
        %dma_wait3A_153 = arith.constant 0 : i32
        %dma_wait3A_154 = arith.constant 0 : i32
        %dma_wait3A_155 = tpu.memref_slice %arg2[%dma_wait3A_153, %dma_wait3A_154] : memref<10000x128xf32, #tpu.memory_space<hbm>> -> memref<10000x128xf32, #tpu.memory_space<hbm>>
        tpu.wait_indirect_dma semaphore(%arg17 : memref<!tpu.dma_semaphore, #tpu.memory_space<semaphore_mem>>) src(%dma_wait3A_155 : memref<10000x128xf32, #tpu.memory_space<hbm>>) dst(%arg10 : memref<80x128xf32, #tpu.memory_space<vmem>>)
        %scan3A_156 = arith.constant 0 : i32
        %scan3A_157 = arith.constant 0 : i32
        %scan3A_158 = arith.constant 80 : i32
        %scan3A_159 = arith.addi %scan3A_157, %scan3A_158 : i32
        %scan3A_160 = arith.constant 1 : i32
        %scan3A_161 = scf.for %scan3A_163 = %scan3A_157 to %scan3A_159 step %scan3A_160 iter_args(%scan3A_164 = %scan3A_156) -> (i32)  : i32 {
          %get3A = arith.index_cast %scan3A_163 : i32 to index
          %get3A_165 = arith.constant 0 : index
          %get3A_166 = tpu.vector_load %arg10[%get3A, %get3A_165] {strides = array<i32>} : memref<80x128xf32, #tpu.memory_space<vmem>>, vector<1x16xf32>,
          %get3A_167 = vector.shape_cast %get3A_166 : vector<1x16xf32> to vector<16xf32>
          %get3A_168 = arith.index_cast %scan3A_163 : i32 to index
          %get3A_169 = arith.constant 0 : index
          %get3A_170 = tpu.vector_load %arg11[%get3A_168, %get3A_169] {strides = array<i32>} : memref<80x128xf32, #tpu.memory_space<vmem>>, vector<1x16xf32>,
          %get3A_171 = vector.shape_cast %get3A_170 : vector<1x16xf32> to vector<16xf32>
          %add3A_172 = arith.addf %get3A_167, %get3A_171 : vector<16xf32>
          %max3A = arith.constant 0.000000e+00 : f32
          %max3A_173 = vector.broadcast %max3A : f32 to vector<16xf32>
          %max3A_174 = arith.maximumf %add3A_172, %max3A_173 : vector<16xf32>
          %swap3A = arith.index_cast %scan3A_163 : i32 to index
          %swap3A_175 = arith.constant 0 : index
          %swap3A_176 = tpu.vector_load %arg10[%swap3A, %swap3A_175] {strides = array<i32>} : memref<80x128xf32, #tpu.memory_space<vmem>>, vector<1x16xf32>,
          %swap3A_177 = vector.shape_cast %swap3A_176 : vector<1x16xf32> to vector<16xf32>
          %swap3A_178 = vector.shape_cast %max3A_174 : vector<16xf32> to vector<1x16xf32>
          tpu.vector_store %arg10[%swap3A, %swap3A_175], %swap3A_178 {strides = array<i32>} : memref<80x128xf32, #tpu.memory_space<vmem>>, vector<1x16xf32>,
          %get3A_179 = arith.index_cast %scan3A_163 : i32 to index
          %get3A_180 = arith.constant 16 : index
          %get3A_181 = tpu.vector_load %arg10[%get3A_179, %get3A_180] {strides = array<i32>} : memref<80x128xf32, #tpu.memory_space<vmem>>, vector<1x16xf32>,
          %get3A_182 = vector.shape_cast %get3A_181 : vector<1x16xf32> to vector<16xf32>
          %get3A_183 = arith.index_cast %scan3A_163 : i32 to index
          %get3A_184 = arith.constant 16 : index
          %get3A_185 = tpu.vector_load %arg11[%get3A_183, %get3A_184] {strides = array<i32>} : memref<80x128xf32, #tpu.memory_space<vmem>>, vector<1x16xf32>,
          %get3A_186 = vector.shape_cast %get3A_185 : vector<1x16xf32> to vector<16xf32>
          %add3A_187 = arith.addf %get3A_182, %get3A_186 : vector<16xf32>
          %max3A_188 = arith.constant 0.000000e+00 : f32
          %max3A_189 = vector.broadcast %max3A_188 : f32 to vector<16xf32>
          %max3A_190 = arith.maximumf %add3A_187, %max3A_189 : vector<16xf32>
          %swap3A_191 = arith.index_cast %scan3A_163 : i32 to index
          %swap3A_192 = arith.constant 16 : index
          %swap3A_193 = tpu.vector_load %arg10[%swap3A_191, %swap3A_192] {strides = array<i32>} : memref<80x128xf32, #tpu.memory_space<vmem>>, vector<1x16xf32>,
          %swap3A_194 = vector.shape_cast %swap3A_193 : vector<1x16xf32> to vector<16xf32>
          %swap3A_195 = vector.shape_cast %max3A_190 : vector<16xf32> to vector<1x16xf32>
          tpu.vector_store %arg10[%swap3A_191, %swap3A_192], %swap3A_195 {strides = array<i32>} : memref<80x128xf32, #tpu.memory_space<vmem>>, vector<1x16xf32>,
          %get3A_196 = arith.index_cast %scan3A_163 : i32 to index
          %get3A_197 = arith.constant 32 : index
          %get3A_198 = tpu.vector_load %arg10[%get3A_196, %get3A_197] {strides = array<i32>} : memref<80x128xf32, #tpu.memory_space<vmem>>, vector<1x16xf32>,
          %get3A_199 = vector.shape_cast %get3A_198 : vector<1x16xf32> to vector<16xf32>
          %get3A_200 = arith.index_cast %scan3A_163 : i32 to index
          %get3A_201 = arith.constant 32 : index
          %get3A_202 = tpu.vector_load %arg11[%get3A_200, %get3A_201] {strides = array<i32>} : memref<80x128xf32, #tpu.memory_space<vmem>>, vector<1x16xf32>,
          %get3A_203 = vector.shape_cast %get3A_202 : vector<1x16xf32> to vector<16xf32>
          %add3A_204 = arith.addf %get3A_199, %get3A_203 : vector<16xf32>
          %max3A_205 = arith.constant 0.000000e+00 : f32
          %max3A_206 = vector.broadcast %max3A_205 : f32 to vector<16xf32>
          %max3A_207 = arith.maximumf %add3A_204, %max3A_206 : vector<16xf32>
          %swap3A_208 = arith.index_cast %scan3A_163 : i32 to index
          %swap3A_209 = arith.constant 32 : index
          %swap3A_210 = tpu.vector_load %arg10[%swap3A_208, %swap3A_209] {strides = array<i32>} : memref<80x128xf32, #tpu.memory_space<vmem>>, vector<1x16xf32>,
          %swap3A_211 = vector.shape_cast %swap3A_210 : vector<1x16xf32> to vector<16xf32>
          %swap3A_212 = vector.shape_cast %max3A_207 : vector<16xf32> to vector<1x16xf32>
          tpu.vector_store %arg10[%swap3A_208, %swap3A_209], %swap3A_212 {strides = array<i32>} : memref<80x128xf32, #tpu.memory_space<vmem>>, vector<1x16xf32>,
          %get3A_213 = arith.index_cast %scan3A_163 : i32 to index
          %get3A_214 = arith.constant 48 : index
          %get3A_215 = tpu.vector_load %arg10[%get3A_213, %get3A_214] {strides = array<i32>} : memref<80x128xf32, #tpu.memory_space<vmem>>, vector<1x16xf32>,
          %get3A_216 = vector.shape_cast %get3A_215 : vector<1x16xf32> to vector<16xf32>
          %get3A_217 = arith.index_cast %scan3A_163 : i32 to index
          %get3A_218 = arith.constant 48 : index
          %get3A_219 = tpu.vector_load %arg11[%get3A_217, %get3A_218] {strides = array<i32>} : memref<80x128xf32, #tpu.memory_space<vmem>>, vector<1x16xf32>,
          %get3A_220 = vector.shape_cast %get3A_219 : vector<1x16xf32> to vector<16xf32>
          %add3A_221 = arith.addf %get3A_216, %get3A_220 : vector<16xf32>
          %max3A_222 = arith.constant 0.000000e+00 : f32
          %max3A_223 = vector.broadcast %max3A_222 : f32 to vector<16xf32>
          %max3A_224 = arith.maximumf %add3A_221, %max3A_223 : vector<16xf32>
          %swap3A_225 = arith.index_cast %scan3A_163 : i32 to index
          %swap3A_226 = arith.constant 48 : index
          %swap3A_227 = tpu.vector_load %arg10[%swap3A_225, %swap3A_226] {strides = array<i32>} : memref<80x128xf32, #tpu.memory_space<vmem>>, vector<1x16xf32>,
          %swap3A_228 = vector.shape_cast %swap3A_227 : vector<1x16xf32> to vector<16xf32>
          %swap3A_229 = vector.shape_cast %max3A_224 : vector<16xf32> to vector<1x16xf32>
          tpu.vector_store %arg10[%swap3A_225, %swap3A_226], %swap3A_229 {strides = array<i32>} : memref<80x128xf32, #tpu.memory_space<vmem>>, vector<1x16xf32>,
          %get3A_230 = arith.index_cast %scan3A_163 : i32 to index
          %get3A_231 = arith.constant 64 : index
          %get3A_232 = tpu.vector_load %arg10[%get3A_230, %get3A_231] {strides = array<i32>} : memref<80x128xf32, #tpu.memory_space<vmem>>, vector<1x16xf32>,
          %get3A_233 = vector.shape_cast %get3A_232 : vector<1x16xf32> to vector<16xf32>
          %get3A_234 = arith.index_cast %scan3A_163 : i32 to index
          %get3A_235 = arith.constant 64 : index
          %get3A_236 = tpu.vector_load %arg11[%get3A_234, %get3A_235] {strides = array<i32>} : memref<80x128xf32, #tpu.memory_space<vmem>>, vector<1x16xf32>,
          %get3A_237 = vector.shape_cast %get3A_236 : vector<1x16xf32> to vector<16xf32>
          %add3A_238 = arith.addf %get3A_233, %get3A_237 : vector<16xf32>
          %max3A_239 = arith.constant 0.000000e+00 : f32
          %max3A_240 = vector.broadcast %max3A_239 : f32 to vector<16xf32>
          %max3A_241 = arith.maximumf %add3A_238, %max3A_240 : vector<16xf32>
          %swap3A_242 = arith.index_cast %scan3A_163 : i32 to index
          %swap3A_243 = arith.constant 64 : index
          %swap3A_244 = tpu.vector_load %arg10[%swap3A_242, %swap3A_243] {strides = array<i32>} : memref<80x128xf32, #tpu.memory_space<vmem>>, vector<1x16xf32>,
          %swap3A_245 = vector.shape_cast %swap3A_244 : vector<1x16xf32> to vector<16xf32>
          %swap3A_246 = vector.shape_cast %max3A_241 : vector<16xf32> to vector<1x16xf32>
          tpu.vector_store %arg10[%swap3A_242, %swap3A_243], %swap3A_246 {strides = array<i32>} : memref<80x128xf32, #tpu.memory_space<vmem>>, vector<1x16xf32>,
          %get3A_247 = arith.index_cast %scan3A_163 : i32 to index
          %get3A_248 = arith.constant 80 : index
          %get3A_249 = tpu.vector_load %arg10[%get3A_247, %get3A_248] {strides = array<i32>} : memref<80x128xf32, #tpu.memory_space<vmem>>, vector<1x16xf32>,
          %get3A_250 = vector.shape_cast %get3A_249 : vector<1x16xf32> to vector<16xf32>
          %get3A_251 = arith.index_cast %scan3A_163 : i32 to index
          %get3A_252 = arith.constant 80 : index
          %get3A_253 = tpu.vector_load %arg11[%get3A_251, %get3A_252] {strides = array<i32>} : memref<80x128xf32, #tpu.memory_space<vmem>>, vector<1x16xf32>,
          %get3A_254 = vector.shape_cast %get3A_253 : vector<1x16xf32> to vector<16xf32>
          %add3A_255 = arith.addf %get3A_250, %get3A_254 : vector<16xf32>
          %max3A_256 = arith.constant 0.000000e+00 : f32
          %max3A_257 = vector.broadcast %max3A_256 : f32 to vector<16xf32>
          %max3A_258 = arith.maximumf %add3A_255, %max3A_257 : vector<16xf32>
          %swap3A_259 = arith.index_cast %scan3A_163 : i32 to index
          %swap3A_260 = arith.constant 80 : index
          %swap3A_261 = tpu.vector_load %arg10[%swap3A_259, %swap3A_260] {strides = array<i32>} : memref<80x128xf32, #tpu.memory_space<vmem>>, vector<1x16xf32>,
          %swap3A_262 = vector.shape_cast %swap3A_261 : vector<1x16xf32> to vector<16xf32>
          %swap3A_263 = vector.shape_cast %max3A_258 : vector<16xf32> to vector<1x16xf32>
          tpu.vector_store %arg10[%swap3A_259, %swap3A_260], %swap3A_263 {strides = array<i32>} : memref<80x128xf32, #tpu.memory_space<vmem>>, vector<1x16xf32>,
          %get3A_264 = arith.index_cast %scan3A_163 : i32 to index
          %get3A_265 = arith.constant 96 : index
          %get3A_266 = tpu.vector_load %arg10[%get3A_264, %get3A_265] {strides = array<i32>} : memref<80x128xf32, #tpu.memory_space<vmem>>, vector<1x16xf32>,
          %get3A_267 = vector.shape_cast %get3A_266 : vector<1x16xf32> to vector<16xf32>
          %get3A_268 = arith.index_cast %scan3A_163 : i32 to index
          %get3A_269 = arith.constant 96 : index
          %get3A_270 = tpu.vector_load %arg11[%get3A_268, %get3A_269] {strides = array<i32>} : memref<80x128xf32, #tpu.memory_space<vmem>>, vector<1x16xf32>,
          %get3A_271 = vector.shape_cast %get3A_270 : vector<1x16xf32> to vector<16xf32>
          %add3A_272 = arith.addf %get3A_267, %get3A_271 : vector<16xf32>
          %max3A_273 = arith.constant 0.000000e+00 : f32
          %max3A_274 = vector.broadcast %max3A_273 : f32 to vector<16xf32>
          %max3A_275 = arith.maximumf %add3A_272, %max3A_274 : vector<16xf32>
          %swap3A_276 = arith.index_cast %scan3A_163 : i32 to index
          %swap3A_277 = arith.constant 96 : index
          %swap3A_278 = tpu.vector_load %arg10[%swap3A_276, %swap3A_277] {strides = array<i32>} : memref<80x128xf32, #tpu.memory_space<vmem>>, vector<1x16xf32>,
          %swap3A_279 = vector.shape_cast %swap3A_278 : vector<1x16xf32> to vector<16xf32>
          %swap3A_280 = vector.shape_cast %max3A_275 : vector<16xf32> to vector<1x16xf32>
          tpu.vector_store %arg10[%swap3A_276, %swap3A_277], %swap3A_280 {strides = array<i32>} : memref<80x128xf32, #tpu.memory_space<vmem>>, vector<1x16xf32>,
          %get3A_281 = arith.index_cast %scan3A_163 : i32 to index
          %get3A_282 = arith.constant 112 : index
          %get3A_283 = tpu.vector_load %arg10[%get3A_281, %get3A_282] {strides = array<i32>} : memref<80x128xf32, #tpu.memory_space<vmem>>, vector<1x16xf32>,
          %get3A_284 = vector.shape_cast %get3A_283 : vector<1x16xf32> to vector<16xf32>
          %get3A_285 = arith.index_cast %scan3A_163 : i32 to index
          %get3A_286 = arith.constant 112 : index
          %get3A_287 = tpu.vector_load %arg11[%get3A_285, %get3A_286] {strides = array<i32>} : memref<80x128xf32, #tpu.memory_space<vmem>>, vector<1x16xf32>,
          %get3A_288 = vector.shape_cast %get3A_287 : vector<1x16xf32> to vector<16xf32>
          %add3A_289 = arith.addf %get3A_284, %get3A_288 : vector<16xf32>
          %max3A_290 = arith.constant 0.000000e+00 : f32
          %max3A_291 = vector.broadcast %max3A_290 : f32 to vector<16xf32>
          %max3A_292 = arith.maximumf %add3A_289, %max3A_291 : vector<16xf32>
          %swap3A_293 = arith.index_cast %scan3A_163 : i32 to index
          %swap3A_294 = arith.constant 112 : index
          %swap3A_295 = tpu.vector_load %arg10[%swap3A_293, %swap3A_294] {strides = array<i32>} : memref<80x128xf32, #tpu.memory_space<vmem>>, vector<1x16xf32>,
          %swap3A_296 = vector.shape_cast %swap3A_295 : vector<1x16xf32> to vector<16xf32>
          %swap3A_297 = vector.shape_cast %max3A_292 : vector<16xf32> to vector<1x16xf32>
          tpu.vector_store %arg10[%swap3A_293, %swap3A_294], %swap3A_297 {strides = array<i32>} : memref<80x128xf32, #tpu.memory_space<vmem>>, vector<1x16xf32>,
          %scan3A_298 = arith.constant 0 : i32
          scf.yield %scan3A_298 : i32
        }
        %scan3A_162 = arith.constant 80 : i32
        "tpu.region"() ({
          %run_scoped3A = tpu.sem_alloc : memref<!tpu.dma_semaphore, #tpu.memory_space<semaphore_mem>>
          %dma_start3A_163 = arith.constant 0 : i32
          %dma_start3A_164 = arith.constant 0 : i32
          %dma_start3A_165 = tpu.memref_slice %arg7[%dma_start3A_163, %dma_start3A_164] : memref<10000x128xf32, #tpu.memory_space<vmem_shared>> -> memref<10000x128xf32, #tpu.memory_space<vmem_shared>>
          tpu.enqueue_indirect_dma source(%arg10 : memref<80x128xf32, #tpu.memory_space<vmem>>) target(%dma_start3A_165 : memref<10000x128xf32, #tpu.memory_space<vmem_shared>>) offsets(%arg9 : memref<80xi32, #tpu.memory_space<vmem>>) semaphore(%run_scoped3A : memref<!tpu.dma_semaphore, #tpu.memory_space<semaphore_mem>>) {add = true}
          %dma_wait3A_166 = arith.constant 0 : i32
          %dma_wait3A_167 = arith.constant 0 : i32
          %dma_wait3A_168 = tpu.memref_slice %arg7[%dma_wait3A_166, %dma_wait3A_167] : memref<10000x128xf32, #tpu.memory_space<vmem_shared>> -> memref<10000x128xf32, #tpu.memory_space<vmem_shared>>
          tpu.wait_indirect_dma semaphore(%run_scoped3A : memref<!tpu.dma_semaphore, #tpu.memory_space<semaphore_mem>>) src(%arg10 : memref<80x128xf32, #tpu.memory_space<vmem>>) dst(%dma_wait3A_168 : memref<10000x128xf32, #tpu.memory_space<vmem_shared>>)
          tpu.yield
        }) : () -> ()
      } else {
      }
      %add3A_116 = arith.constant 2 : i32
      %add3A_117 = arith.addi %add3A_104, %add3A_116 : i32
      %lt3A_118 = arith.constant 125 : i32
      %lt3A_119 = arith.cmpi slt, %add3A_117, %lt3A_118 : i32
      %convert_element_type3A_120 = arith.extui %lt3A_119 : i1 to i32
      %cond3A_121 = arith.constant 0 : i32
      %cond3A_122 = arith.cmpi ne, %convert_element_type3A_120, %cond3A_121 : i32
      scf.if %cond3A_122 {
        %add3A_147 = arith.constant 2 : i32
        %add3A_148 = arith.addi %add3A_104, %add3A_147 : i32
        %mul3A_149 = arith.constant 32 : i32
        %mul3A_150 = arith.muli %add3A_148, %mul3A_149 : i32
        %add3A_151 = arith.addi %add3A, %mul3A_150 : i32
        %mul3A_152 = arith.constant 80 : i32
        %mul3A_153 = arith.muli %add3A_151, %mul3A_152 : i32
        %dma_start3A_154 = tpu.memref_slice %arg3[%mul3A_153] : memref<320000xi32, #tpu.memory_space<hbm>> -> memref<80xi32, #tpu.memory_space<hbm>>
        %dma_start3A_155 = tpu.memref_slice %arg3[%mul3A_153] : memref<320000xi32, #tpu.memory_space<hbm>> -> memref<80xi32, #tpu.memory_space<hbm>>
        tpu.enqueue_dma source(%dma_start3A_155 : memref<80xi32, #tpu.memory_space<hbm>>) target(%arg8 : memref<80xi32, #tpu.memory_space<vmem>>) target_semaphore(%arg16 : memref<!tpu.dma_semaphore, #tpu.memory_space<semaphore_mem>>)
        %mul3A_156 = arith.constant 32 : i32
        %mul3A_157 = arith.muli %add3A_148, %mul3A_156 : i32
        %add3A_158 = arith.addi %add3A, %mul3A_157 : i32
        %mul3A_159 = arith.constant 80 : i32
        %mul3A_160 = arith.muli %add3A_158, %mul3A_159 : i32
        %dma_start3A_161 = tpu.memref_slice %arg4[%mul3A_160] : memref<320000xi32, #tpu.memory_space<hbm>> -> memref<80xi32, #tpu.memory_space<hbm>>
        %dma_start3A_162 = tpu.memref_slice %arg4[%mul3A_160] : memref<320000xi32, #tpu.memory_space<hbm>> -> memref<80xi32, #tpu.memory_space<hbm>>
        tpu.enqueue_dma source(%dma_start3A_162 : memref<80xi32, #tpu.memory_space<hbm>>) target(%arg9 : memref<80xi32, #tpu.memory_space<vmem>>) target_semaphore(%arg16 : memref<!tpu.dma_semaphore, #tpu.memory_space<semaphore_mem>>)
      } else {
      }
      %mul3A_123 = arith.constant 2 : i32
      %mul3A_124 = arith.muli %mul3A_123, %scan3A_99 : i32
      %add3A_125 = arith.constant 1 : i32
      %add3A_126 = arith.addi %mul3A_124, %add3A_125 : i32
      %add3A_127 = arith.constant 1 : i32
      %add3A_128 = arith.addi %add3A_126, %add3A_127 : i32
      %lt3A_129 = arith.constant 125 : i32
      %lt3A_130 = arith.cmpi slt, %add3A_128, %lt3A_129 : i32
      %convert_element_type3A_131 = arith.extui %lt3A_130 : i1 to i32
      %cond3A_132 = arith.constant 0 : i32
      %cond3A_133 = arith.cmpi ne, %convert_element_type3A_131, %cond3A_132 : i32
      scf.if %cond3A_133 {
        %dma_wait3A_147 = arith.constant 0 : i32
        %dma_wait3A_148 = tpu.memref_slice %arg3[%dma_wait3A_147] : memref<320000xi32, #tpu.memory_space<hbm>> -> memref<80xi32, #tpu.memory_space<hbm>>
        %dma_wait3A_149 = arith.constant 0 : i32
        %dma_wait3A_150 = tpu.memref_slice %arg3[%dma_wait3A_149] : memref<320000xi32, #tpu.memory_space<hbm>> -> memref<80xi32, #tpu.memory_space<hbm>>
        tpu.wait_dma2 semaphore(%arg16 : memref<!tpu.dma_semaphore, #tpu.memory_space<semaphore_mem>>) src(%dma_wait3A_150 : memref<80xi32, #tpu.memory_space<hbm>>) dst(%arg8 : memref<80xi32, #tpu.memory_space<vmem>>)
        %dma_wait3A_151 = arith.constant 0 : i32
        %dma_wait3A_152 = tpu.memref_slice %arg4[%dma_wait3A_151] : memref<320000xi32, #tpu.memory_space<hbm>> -> memref<80xi32, #tpu.memory_space<hbm>>
        %dma_wait3A_153 = arith.constant 0 : i32
        %dma_wait3A_154 = tpu.memref_slice %arg4[%dma_wait3A_153] : memref<320000xi32, #tpu.memory_space<hbm>> -> memref<80xi32, #tpu.memory_space<hbm>>
        tpu.wait_dma2 semaphore(%arg16 : memref<!tpu.dma_semaphore, #tpu.memory_space<semaphore_mem>>) src(%dma_wait3A_154 : memref<80xi32, #tpu.memory_space<hbm>>) dst(%arg9 : memref<80xi32, #tpu.memory_space<vmem>>)
        %add3A_155 = arith.constant 1 : i32
        %add3A_156 = arith.addi %add3A_126, %add3A_155 : i32
        %mul3A_157 = arith.constant 32 : i32
        %mul3A_158 = arith.muli %add3A_156, %mul3A_157 : i32
        %add3A_159 = arith.addi %add3A, %mul3A_158 : i32
        %mul3A_160 = arith.constant 80 : i32
        %mul3A_161 = arith.muli %add3A_159, %mul3A_160 : i32
        %dma_start3A_162 = arith.constant 0 : i32
        %dma_start3A_163 = tpu.memref_slice %arg5[%mul3A_161, %dma_start3A_162] : memref<320000x128xf32, #tpu.memory_space<hbm>> -> memref<80x128xf32, #tpu.memory_space<hbm>>
        %dma_start3A_164 = arith.constant 0 : i32
        %dma_start3A_165 = tpu.memref_slice %arg5[%mul3A_161, %dma_start3A_164] : memref<320000x128xf32, #tpu.memory_space<hbm>> -> memref<80x128xf32, #tpu.memory_space<hbm>>
        tpu.enqueue_dma source(%dma_start3A_165 : memref<80x128xf32, #tpu.memory_space<hbm>>) target(%arg11 : memref<80x128xf32, #tpu.memory_space<vmem>>) target_semaphore(%arg18 : memref<!tpu.dma_semaphore, #tpu.memory_space<semaphore_mem>>)
        %dma_start3A_166 = arith.constant 0 : i32
        %dma_start3A_167 = arith.constant 0 : i32
        %dma_start3A_168 = tpu.memref_slice %arg2[%dma_start3A_166, %dma_start3A_167] : memref<10000x128xf32, #tpu.memory_space<hbm>> -> memref<10000x128xf32, #tpu.memory_space<hbm>>
        tpu.enqueue_indirect_dma source(%dma_start3A_168 : memref<10000x128xf32, #tpu.memory_space<hbm>>) target(%arg10 : memref<80x128xf32, #tpu.memory_space<vmem>>) offsets(%arg8 : memref<80xi32, #tpu.memory_space<vmem>>) semaphore(%arg17 : memref<!tpu.dma_semaphore, #tpu.memory_space<semaphore_mem>>)
      } else {
      }
      %lt3A_134 = arith.constant 125 : i32
      %lt3A_135 = arith.cmpi slt, %add3A_126, %lt3A_134 : i32
      %convert_element_type3A_136 = arith.extui %lt3A_135 : i1 to i32
      %cond3A_137 = arith.constant 0 : i32
      %cond3A_138 = arith.cmpi ne, %convert_element_type3A_136, %cond3A_137 : i32
      scf.if %cond3A_138 {
        %dma_wait3A_147 = arith.constant 0 : i32
        %dma_wait3A_148 = arith.constant 0 : i32
        %dma_wait3A_149 = tpu.memref_slice %arg5[%dma_wait3A_147, %dma_wait3A_148] : memref<320000x128xf32, #tpu.memory_space<hbm>> -> memref<80x128xf32, #tpu.memory_space<hbm>>
        %dma_wait3A_150 = arith.constant 0 : i32
        %dma_wait3A_151 = arith.constant 0 : i32
        %dma_wait3A_152 = tpu.memref_slice %arg5[%dma_wait3A_150, %dma_wait3A_151] : memref<320000x128xf32, #tpu.memory_space<hbm>> -> memref<80x128xf32, #tpu.memory_space<hbm>>
        tpu.wait_dma2 semaphore(%arg21 : memref<!tpu.dma_semaphore, #tpu.memory_space<semaphore_mem>>) src(%dma_wait3A_152 : memref<80x128xf32, #tpu.memory_space<hbm>>) dst(%arg15 : memref<80x128xf32, #tpu.memory_space<vmem>>)
        %dma_wait3A_153 = arith.constant 0 : i32
        %dma_wait3A_154 = arith.constant 0 : i32
        %dma_wait3A_155 = tpu.memref_slice %arg2[%dma_wait3A_153, %dma_wait3A_154] : memref<10000x128xf32, #tpu.memory_space<hbm>> -> memref<10000x128xf32, #tpu.memory_space<hbm>>
        tpu.wait_indirect_dma semaphore(%arg20 : memref<!tpu.dma_semaphore, #tpu.memory_space<semaphore_mem>>) src(%dma_wait3A_155 : memref<10000x128xf32, #tpu.memory_space<hbm>>) dst(%arg14 : memref<80x128xf32, #tpu.memory_space<vmem>>)
        %scan3A_156 = arith.constant 0 : i32
        %scan3A_157 = arith.constant 0 : i32
        %scan3A_158 = arith.constant 80 : i32
        %scan3A_159 = arith.addi %scan3A_157, %scan3A_158 : i32
        %scan3A_160 = arith.constant 1 : i32
        %scan3A_161 = scf.for %scan3A_163 = %scan3A_157 to %scan3A_159 step %scan3A_160 iter_args(%scan3A_164 = %scan3A_156) -> (i32)  : i32 {
          %get3A = arith.index_cast %scan3A_163 : i32 to index
          %get3A_165 = arith.constant 0 : index
          %get3A_166 = tpu.vector_load %arg14[%get3A, %get3A_165] {strides = array<i32>} : memref<80x128xf32, #tpu.memory_space<vmem>>, vector<1x16xf32>,
          %get3A_167 = vector.shape_cast %get3A_166 : vector<1x16xf32> to vector<16xf32>
          %get3A_168 = arith.index_cast %scan3A_163 : i32 to index
          %get3A_169 = arith.constant 0 : index
          %get3A_170 = tpu.vector_load %arg15[%get3A_168, %get3A_169] {strides = array<i32>} : memref<80x128xf32, #tpu.memory_space<vmem>>, vector<1x16xf32>,
          %get3A_171 = vector.shape_cast %get3A_170 : vector<1x16xf32> to vector<16xf32>
          %add3A_172 = arith.addf %get3A_167, %get3A_171 : vector<16xf32>
          %max3A = arith.constant 0.000000e+00 : f32
          %max3A_173 = vector.broadcast %max3A : f32 to vector<16xf32>
          %max3A_174 = arith.maximumf %add3A_172, %max3A_173 : vector<16xf32>
          %swap3A = arith.index_cast %scan3A_163 : i32 to index
          %swap3A_175 = arith.constant 0 : index
          %swap3A_176 = tpu.vector_load %arg14[%swap3A, %swap3A_175] {strides = array<i32>} : memref<80x128xf32, #tpu.memory_space<vmem>>, vector<1x16xf32>,
          %swap3A_177 = vector.shape_cast %swap3A_176 : vector<1x16xf32> to vector<16xf32>
          %swap3A_178 = vector.shape_cast %max3A_174 : vector<16xf32> to vector<1x16xf32>
          tpu.vector_store %arg14[%swap3A, %swap3A_175], %swap3A_178 {strides = array<i32>} : memref<80x128xf32, #tpu.memory_space<vmem>>, vector<1x16xf32>,
          %get3A_179 = arith.index_cast %scan3A_163 : i32 to index
          %get3A_180 = arith.constant 16 : index
          %get3A_181 = tpu.vector_load %arg14[%get3A_179, %get3A_180] {strides = array<i32>} : memref<80x128xf32, #tpu.memory_space<vmem>>, vector<1x16xf32>,
          %get3A_182 = vector.shape_cast %get3A_181 : vector<1x16xf32> to vector<16xf32>
          %get3A_183 = arith.index_cast %scan3A_163 : i32 to index
          %get3A_184 = arith.constant 16 : index
          %get3A_185 = tpu.vector_load %arg15[%get3A_183, %get3A_184] {strides = array<i32>} : memref<80x128xf32, #tpu.memory_space<vmem>>, vector<1x16xf32>,
          %get3A_186 = vector.shape_cast %get3A_185 : vector<1x16xf32> to vector<16xf32>
          %add3A_187 = arith.addf %get3A_182, %get3A_186 : vector<16xf32>
          %max3A_188 = arith.constant 0.000000e+00 : f32
          %max3A_189 = vector.broadcast %max3A_188 : f32 to vector<16xf32>
          %max3A_190 = arith.maximumf %add3A_187, %max3A_189 : vector<16xf32>
          %swap3A_191 = arith.index_cast %scan3A_163 : i32 to index
          %swap3A_192 = arith.constant 16 : index
          %swap3A_193 = tpu.vector_load %arg14[%swap3A_191, %swap3A_192] {strides = array<i32>} : memref<80x128xf32, #tpu.memory_space<vmem>>, vector<1x16xf32>,
          %swap3A_194 = vector.shape_cast %swap3A_193 : vector<1x16xf32> to vector<16xf32>
          %swap3A_195 = vector.shape_cast %max3A_190 : vector<16xf32> to vector<1x16xf32>
          tpu.vector_store %arg14[%swap3A_191, %swap3A_192], %swap3A_195 {strides = array<i32>} : memref<80x128xf32, #tpu.memory_space<vmem>>, vector<1x16xf32>,
          %get3A_196 = arith.index_cast %scan3A_163 : i32 to index
          %get3A_197 = arith.constant 32 : index
          %get3A_198 = tpu.vector_load %arg14[%get3A_196, %get3A_197] {strides = array<i32>} : memref<80x128xf32, #tpu.memory_space<vmem>>, vector<1x16xf32>,
          %get3A_199 = vector.shape_cast %get3A_198 : vector<1x16xf32> to vector<16xf32>
          %get3A_200 = arith.index_cast %scan3A_163 : i32 to index
          %get3A_201 = arith.constant 32 : index
          %get3A_202 = tpu.vector_load %arg15[%get3A_200, %get3A_201] {strides = array<i32>} : memref<80x128xf32, #tpu.memory_space<vmem>>, vector<1x16xf32>,
          %get3A_203 = vector.shape_cast %get3A_202 : vector<1x16xf32> to vector<16xf32>
          %add3A_204 = arith.addf %get3A_199, %get3A_203 : vector<16xf32>
          %max3A_205 = arith.constant 0.000000e+00 : f32
          %max3A_206 = vector.broadcast %max3A_205 : f32 to vector<16xf32>
          %max3A_207 = arith.maximumf %add3A_204, %max3A_206 : vector<16xf32>
          %swap3A_208 = arith.index_cast %scan3A_163 : i32 to index
          %swap3A_209 = arith.constant 32 : index
          %swap3A_210 = tpu.vector_load %arg14[%swap3A_208, %swap3A_209] {strides = array<i32>} : memref<80x128xf32, #tpu.memory_space<vmem>>, vector<1x16xf32>,
          %swap3A_211 = vector.shape_cast %swap3A_210 : vector<1x16xf32> to vector<16xf32>
          %swap3A_212 = vector.shape_cast %max3A_207 : vector<16xf32> to vector<1x16xf32>
          tpu.vector_store %arg14[%swap3A_208, %swap3A_209], %swap3A_212 {strides = array<i32>} : memref<80x128xf32, #tpu.memory_space<vmem>>, vector<1x16xf32>,
          %get3A_213 = arith.index_cast %scan3A_163 : i32 to index
          %get3A_214 = arith.constant 48 : index
          %get3A_215 = tpu.vector_load %arg14[%get3A_213, %get3A_214] {strides = array<i32>} : memref<80x128xf32, #tpu.memory_space<vmem>>, vector<1x16xf32>,
          %get3A_216 = vector.shape_cast %get3A_215 : vector<1x16xf32> to vector<16xf32>
          %get3A_217 = arith.index_cast %scan3A_163 : i32 to index
          %get3A_218 = arith.constant 48 : index
          %get3A_219 = tpu.vector_load %arg15[%get3A_217, %get3A_218] {strides = array<i32>} : memref<80x128xf32, #tpu.memory_space<vmem>>, vector<1x16xf32>,
          %get3A_220 = vector.shape_cast %get3A_219 : vector<1x16xf32> to vector<16xf32>
          %add3A_221 = arith.addf %get3A_216, %get3A_220 : vector<16xf32>
          %max3A_222 = arith.constant 0.000000e+00 : f32
          %max3A_223 = vector.broadcast %max3A_222 : f32 to vector<16xf32>
          %max3A_224 = arith.maximumf %add3A_221, %max3A_223 : vector<16xf32>
          %swap3A_225 = arith.index_cast %scan3A_163 : i32 to index
          %swap3A_226 = arith.constant 48 : index
          %swap3A_227 = tpu.vector_load %arg14[%swap3A_225, %swap3A_226] {strides = array<i32>} : memref<80x128xf32, #tpu.memory_space<vmem>>, vector<1x16xf32>,
          %swap3A_228 = vector.shape_cast %swap3A_227 : vector<1x16xf32> to vector<16xf32>
          %swap3A_229 = vector.shape_cast %max3A_224 : vector<16xf32> to vector<1x16xf32>
          tpu.vector_store %arg14[%swap3A_225, %swap3A_226], %swap3A_229 {strides = array<i32>} : memref<80x128xf32, #tpu.memory_space<vmem>>, vector<1x16xf32>,
          %get3A_230 = arith.index_cast %scan3A_163 : i32 to index
          %get3A_231 = arith.constant 64 : index
          %get3A_232 = tpu.vector_load %arg14[%get3A_230, %get3A_231] {strides = array<i32>} : memref<80x128xf32, #tpu.memory_space<vmem>>, vector<1x16xf32>,
          %get3A_233 = vector.shape_cast %get3A_232 : vector<1x16xf32> to vector<16xf32>
          %get3A_234 = arith.index_cast %scan3A_163 : i32 to index
          %get3A_235 = arith.constant 64 : index
          %get3A_236 = tpu.vector_load %arg15[%get3A_234, %get3A_235] {strides = array<i32>} : memref<80x128xf32, #tpu.memory_space<vmem>>, vector<1x16xf32>,
          %get3A_237 = vector.shape_cast %get3A_236 : vector<1x16xf32> to vector<16xf32>
          %add3A_238 = arith.addf %get3A_233, %get3A_237 : vector<16xf32>
          %max3A_239 = arith.constant 0.000000e+00 : f32
          %max3A_240 = vector.broadcast %max3A_239 : f32 to vector<16xf32>
          %max3A_241 = arith.maximumf %add3A_238, %max3A_240 : vector<16xf32>
          %swap3A_242 = arith.index_cast %scan3A_163 : i32 to index
          %swap3A_243 = arith.constant 64 : index
          %swap3A_244 = tpu.vector_load %arg14[%swap3A_242, %swap3A_243] {strides = array<i32>} : memref<80x128xf32, #tpu.memory_space<vmem>>, vector<1x16xf32>,
          %swap3A_245 = vector.shape_cast %swap3A_244 : vector<1x16xf32> to vector<16xf32>
          %swap3A_246 = vector.shape_cast %max3A_241 : vector<16xf32> to vector<1x16xf32>
          tpu.vector_store %arg14[%swap3A_242, %swap3A_243], %swap3A_246 {strides = array<i32>} : memref<80x128xf32, #tpu.memory_space<vmem>>, vector<1x16xf32>,
          %get3A_247 = arith.index_cast %scan3A_163 : i32 to index
          %get3A_248 = arith.constant 80 : index
          %get3A_249 = tpu.vector_load %arg14[%get3A_247, %get3A_248] {strides = array<i32>} : memref<80x128xf32, #tpu.memory_space<vmem>>, vector<1x16xf32>,
          %get3A_250 = vector.shape_cast %get3A_249 : vector<1x16xf32> to vector<16xf32>
          %get3A_251 = arith.index_cast %scan3A_163 : i32 to index
          %get3A_252 = arith.constant 80 : index
          %get3A_253 = tpu.vector_load %arg15[%get3A_251, %get3A_252] {strides = array<i32>} : memref<80x128xf32, #tpu.memory_space<vmem>>, vector<1x16xf32>,
          %get3A_254 = vector.shape_cast %get3A_253 : vector<1x16xf32> to vector<16xf32>
          %add3A_255 = arith.addf %get3A_250, %get3A_254 : vector<16xf32>
          %max3A_256 = arith.constant 0.000000e+00 : f32
          %max3A_257 = vector.broadcast %max3A_256 : f32 to vector<16xf32>
          %max3A_258 = arith.maximumf %add3A_255, %max3A_257 : vector<16xf32>
          %swap3A_259 = arith.index_cast %scan3A_163 : i32 to index
          %swap3A_260 = arith.constant 80 : index
          %swap3A_261 = tpu.vector_load %arg14[%swap3A_259, %swap3A_260] {strides = array<i32>} : memref<80x128xf32, #tpu.memory_space<vmem>>, vector<1x16xf32>,
          %swap3A_262 = vector.shape_cast %swap3A_261 : vector<1x16xf32> to vector<16xf32>
          %swap3A_263 = vector.shape_cast %max3A_258 : vector<16xf32> to vector<1x16xf32>
          tpu.vector_store %arg14[%swap3A_259, %swap3A_260], %swap3A_263 {strides = array<i32>} : memref<80x128xf32, #tpu.memory_space<vmem>>, vector<1x16xf32>,
          %get3A_264 = arith.index_cast %scan3A_163 : i32 to index
          %get3A_265 = arith.constant 96 : index
          %get3A_266 = tpu.vector_load %arg14[%get3A_264, %get3A_265] {strides = array<i32>} : memref<80x128xf32, #tpu.memory_space<vmem>>, vector<1x16xf32>,
          %get3A_267 = vector.shape_cast %get3A_266 : vector<1x16xf32> to vector<16xf32>
          %get3A_268 = arith.index_cast %scan3A_163 : i32 to index
          %get3A_269 = arith.constant 96 : index
          %get3A_270 = tpu.vector_load %arg15[%get3A_268, %get3A_269] {strides = array<i32>} : memref<80x128xf32, #tpu.memory_space<vmem>>, vector<1x16xf32>,
          %get3A_271 = vector.shape_cast %get3A_270 : vector<1x16xf32> to vector<16xf32>
          %add3A_272 = arith.addf %get3A_267, %get3A_271 : vector<16xf32>
          %max3A_273 = arith.constant 0.000000e+00 : f32
          %max3A_274 = vector.broadcast %max3A_273 : f32 to vector<16xf32>
          %max3A_275 = arith.maximumf %add3A_272, %max3A_274 : vector<16xf32>
          %swap3A_276 = arith.index_cast %scan3A_163 : i32 to index
          %swap3A_277 = arith.constant 96 : index
          %swap3A_278 = tpu.vector_load %arg14[%swap3A_276, %swap3A_277] {strides = array<i32>} : memref<80x128xf32, #tpu.memory_space<vmem>>, vector<1x16xf32>,
          %swap3A_279 = vector.shape_cast %swap3A_278 : vector<1x16xf32> to vector<16xf32>
          %swap3A_280 = vector.shape_cast %max3A_275 : vector<16xf32> to vector<1x16xf32>
          tpu.vector_store %arg14[%swap3A_276, %swap3A_277], %swap3A_280 {strides = array<i32>} : memref<80x128xf32, #tpu.memory_space<vmem>>, vector<1x16xf32>,
          %get3A_281 = arith.index_cast %scan3A_163 : i32 to index
          %get3A_282 = arith.constant 112 : index
          %get3A_283 = tpu.vector_load %arg14[%get3A_281, %get3A_282] {strides = array<i32>} : memref<80x128xf32, #tpu.memory_space<vmem>>, vector<1x16xf32>,
          %get3A_284 = vector.shape_cast %get3A_283 : vector<1x16xf32> to vector<16xf32>
          %get3A_285 = arith.index_cast %scan3A_163 : i32 to index
          %get3A_286 = arith.constant 112 : index
          %get3A_287 = tpu.vector_load %arg15[%get3A_285, %get3A_286] {strides = array<i32>} : memref<80x128xf32, #tpu.memory_space<vmem>>, vector<1x16xf32>,
          %get3A_288 = vector.shape_cast %get3A_287 : vector<1x16xf32> to vector<16xf32>
          %add3A_289 = arith.addf %get3A_284, %get3A_288 : vector<16xf32>
          %max3A_290 = arith.constant 0.000000e+00 : f32
          %max3A_291 = vector.broadcast %max3A_290 : f32 to vector<16xf32>
          %max3A_292 = arith.maximumf %add3A_289, %max3A_291 : vector<16xf32>
          %swap3A_293 = arith.index_cast %scan3A_163 : i32 to index
          %swap3A_294 = arith.constant 112 : index
          %swap3A_295 = tpu.vector_load %arg14[%swap3A_293, %swap3A_294] {strides = array<i32>} : memref<80x128xf32, #tpu.memory_space<vmem>>, vector<1x16xf32>,
          %swap3A_296 = vector.shape_cast %swap3A_295 : vector<1x16xf32> to vector<16xf32>
          %swap3A_297 = vector.shape_cast %max3A_292 : vector<16xf32> to vector<1x16xf32>
          tpu.vector_store %arg14[%swap3A_293, %swap3A_294], %swap3A_297 {strides = array<i32>} : memref<80x128xf32, #tpu.memory_space<vmem>>, vector<1x16xf32>,
          %scan3A_298 = arith.constant 0 : i32
          scf.yield %scan3A_298 : i32
        }
        %scan3A_162 = arith.constant 80 : i32
        "tpu.region"() ({
          %run_scoped3A = tpu.sem_alloc : memref<!tpu.dma_semaphore, #tpu.memory_space<semaphore_mem>>
          %dma_start3A_163 = arith.constant 0 : i32
          %dma_start3A_164 = arith.constant 0 : i32
          %dma_start3A_165 = tpu.memref_slice %arg7[%dma_start3A_163, %dma_start3A_164] : memref<10000x128xf32, #tpu.memory_space<vmem_shared>> -> memref<10000x128xf32, #tpu.memory_space<vmem_shared>>
          tpu.enqueue_indirect_dma source(%arg14 : memref<80x128xf32, #tpu.memory_space<vmem>>) target(%dma_start3A_165 : memref<10000x128xf32, #tpu.memory_space<vmem_shared>>) offsets(%arg13 : memref<80xi32, #tpu.memory_space<vmem>>) semaphore(%run_scoped3A : memref<!tpu.dma_semaphore, #tpu.memory_space<semaphore_mem>>) {add = true}
          %dma_wait3A_166 = arith.constant 0 : i32
          %dma_wait3A_167 = arith.constant 0 : i32
          %dma_wait3A_168 = tpu.memref_slice %arg7[%dma_wait3A_166, %dma_wait3A_167] : memref<10000x128xf32, #tpu.memory_space<vmem_shared>> -> memref<10000x128xf32, #tpu.memory_space<vmem_shared>>
          tpu.wait_indirect_dma semaphore(%run_scoped3A : memref<!tpu.dma_semaphore, #tpu.memory_space<semaphore_mem>>) src(%arg14 : memref<80x128xf32, #tpu.memory_space<vmem>>) dst(%dma_wait3A_168 : memref<10000x128xf32, #tpu.memory_space<vmem_shared>>)
          tpu.yield
        }) : () -> ()
      } else {
      }
      %add3A_139 = arith.constant 2 : i32
      %add3A_140 = arith.addi %add3A_126, %add3A_139 : i32
      %lt3A_141 = arith.constant 125 : i32
      %lt3A_142 = arith.cmpi slt, %add3A_140, %lt3A_141 : i32
      %convert_element_type3A_143 = arith.extui %lt3A_142 : i1 to i32
      %cond3A_144 = arith.constant 0 : i32
      %cond3A_145 = arith.cmpi ne, %convert_element_type3A_143, %cond3A_144 : i32
      scf.if %cond3A_145 {
        %add3A_147 = arith.constant 2 : i32
        %add3A_148 = arith.addi %add3A_126, %add3A_147 : i32
        %mul3A_149 = arith.constant 32 : i32
        %mul3A_150 = arith.muli %add3A_148, %mul3A_149 : i32
        %add3A_151 = arith.addi %add3A, %mul3A_150 : i32
        %mul3A_152 = arith.constant 80 : i32
        %mul3A_153 = arith.muli %add3A_151, %mul3A_152 : i32
        %dma_start3A_154 = tpu.memref_slice %arg3[%mul3A_153] : memref<320000xi32, #tpu.memory_space<hbm>> -> memref<80xi32, #tpu.memory_space<hbm>>
        %dma_start3A_155 = tpu.memref_slice %arg3[%mul3A_153] : memref<320000xi32, #tpu.memory_space<hbm>> -> memref<80xi32, #tpu.memory_space<hbm>>
        tpu.enqueue_dma source(%dma_start3A_155 : memref<80xi32, #tpu.memory_space<hbm>>) target(%arg12 : memref<80xi32, #tpu.memory_space<vmem>>) target_semaphore(%arg19 : memref<!tpu.dma_semaphore, #tpu.memory_space<semaphore_mem>>)
        %mul3A_156 = arith.constant 32 : i32
        %mul3A_157 = arith.muli %add3A_148, %mul3A_156 : i32
        %add3A_158 = arith.addi %add3A, %mul3A_157 : i32
        %mul3A_159 = arith.constant 80 : i32
        %mul3A_160 = arith.muli %add3A_158, %mul3A_159 : i32
        %dma_start3A_161 = tpu.memref_slice %arg4[%mul3A_160] : memref<320000xi32, #tpu.memory_space<hbm>> -> memref<80xi32, #tpu.memory_space<hbm>>
        %dma_start3A_162 = tpu.memref_slice %arg4[%mul3A_160] : memref<320000xi32, #tpu.memory_space<hbm>> -> memref<80xi32, #tpu.memory_space<hbm>>
        tpu.enqueue_dma source(%dma_start3A_162 : memref<80xi32, #tpu.memory_space<hbm>>) target(%arg13 : memref<80xi32, #tpu.memory_space<vmem>>) target_semaphore(%arg19 : memref<!tpu.dma_semaphore, #tpu.memory_space<semaphore_mem>>)
      } else {
      }
      %scan3A_146 = arith.constant 0 : i32
      scf.yield %scan3A_146 : i32
    }
    %scan3A_88 = arith.constant 63 : i32
    %barrier3A_89 = arith.constant 0 : index
    tpu.barrier barrier_id(%barrier3A_89)
    %mul3A_90 = arith.constant 624 : i32
    %mul3A_91 = arith.muli %arg1, %mul3A_90 : i32
    %mul3A_92 = arith.constant 624 : i32
    %mul3A_93 = arith.muli %arg1, %mul3A_92 : i32
    "tpu.region"() ({
      %run_scoped3A = tpu.sem_alloc : memref<!tpu.dma_semaphore, #tpu.memory_space<semaphore_mem>>
      %dma_start3A_99 = arith.constant 0 : i32
      %dma_start3A_100 = tpu.memref_slice %arg6[%arg0, %mul3A_93, %dma_start3A_99] : memref<2x10000x128xf32, #tpu.memory_space<hbm>> -> memref<1x624x128xf32, #tpu.memory_space<hbm>>
      %dma_start3A_101 = tpu.memref_squeeze %dma_start3A_100 : memref<1x624x128xf32, #tpu.memory_space<hbm>> -> memref<624x128xf32, #tpu.memory_space<hbm>>
      %dma_start3A_102 = arith.constant 0 : i32
      %dma_start3A_103 = tpu.memref_slice %arg7[%mul3A_91, %dma_start3A_102] : memref<10000x128xf32, #tpu.memory_space<vmem_shared>> -> memref<624x128xf32, #tpu.memory_space<vmem_shared>>
      tpu.enqueue_dma source(%dma_start3A_103 : memref<624x128xf32, #tpu.memory_space<vmem_shared>>) target(%dma_start3A_101 : memref<624x128xf32, #tpu.memory_space<hbm>>) target_semaphore(%run_scoped3A : memref<!tpu.dma_semaphore, #tpu.memory_space<semaphore_mem>>)
      %dma_wait3A_104 = arith.constant 0 : i32
      %dma_wait3A_105 = tpu.memref_slice %arg6[%arg0, %mul3A_93, %dma_wait3A_104] : memref<2x10000x128xf32, #tpu.memory_space<hbm>> -> memref<1x624x128xf32, #tpu.memory_space<hbm>>
      %dma_wait3A_106 = tpu.memref_squeeze %dma_wait3A_105 : memref<1x624x128xf32, #tpu.memory_space<hbm>> -> memref<624x128xf32, #tpu.memory_space<hbm>>
      %dma_wait3A_107 = arith.constant 0 : i32
      %dma_wait3A_108 = tpu.memref_slice %arg7[%mul3A_91, %dma_wait3A_107] : memref<10000x128xf32, #tpu.memory_space<vmem_shared>> -> memref<624x128xf32, #tpu.memory_space<vmem_shared>>
      tpu.wait_dma2 semaphore(%run_scoped3A : memref<!tpu.dma_semaphore, #tpu.memory_space<semaphore_mem>>) src(%dma_wait3A_108 : memref<624x128xf32, #tpu.memory_space<vmem_shared>>) dst(%dma_wait3A_106 : memref<624x128xf32, #tpu.memory_space<hbm>>)
      tpu.yield
    }) : () -> ()
    %eq3A_94 = arith.constant 0 : i32
    %eq3A_95 = arith.cmpi eq, %arg1, %eq3A_94 : i32
    %convert_element_type3A_96 = arith.extui %eq3A_95 : i1 to i32
    %cond3A_97 = arith.constant 0 : i32
    %cond3A_98 = arith.cmpi ne, %convert_element_type3A_96, %cond3A_97 : i32
    scf.if %cond3A_98 {
      "tpu.region"() ({
        %run_scoped3A = tpu.sem_alloc : memref<!tpu.dma_semaphore, #tpu.memory_space<semaphore_mem>>
        %dma_start3A_99 = arith.constant 9984 : i32
        %dma_start3A_100 = arith.constant 0 : i32
        %dma_start3A_101 = tpu.memref_slice %arg6[%arg0, %dma_start3A_99, %dma_start3A_100] : memref<2x10000x128xf32, #tpu.memory_space<hbm>> -> memref<1x16x128xf32, #tpu.memory_space<hbm>>
        %dma_start3A_102 = tpu.memref_squeeze %dma_start3A_101 : memref<1x16x128xf32, #tpu.memory_space<hbm>> -> memref<16x128xf32, #tpu.memory_space<hbm>>
        %dma_start3A_103 = arith.constant 9984 : i32
        %dma_start3A_104 = arith.constant 0 : i32
        %dma_start3A_105 = tpu.memref_slice %arg7[%dma_start3A_103, %dma_start3A_104] : memref<10000x128xf32, #tpu.memory_space<vmem_shared>> -> memref<16x128xf32, #tpu.memory_space<vmem_shared>>
        tpu.enqueue_dma source(%dma_start3A_105 : memref<16x128xf32, #tpu.memory_space<vmem_shared>>) target(%dma_start3A_102 : memref<16x128xf32, #tpu.memory_space<hbm>>) target_semaphore(%run_scoped3A : memref<!tpu.dma_semaphore, #tpu.memory_space<semaphore_mem>>)
        %dma_wait3A_106 = arith.constant 9984 : i32
        %dma_wait3A_107 = arith.constant 0 : i32
        %dma_wait3A_108 = tpu.memref_slice %arg6[%arg0, %dma_wait3A_106, %dma_wait3A_107] : memref<2x10000x128xf32, #tpu.memory_space<hbm>> -> memref<1x16x128xf32, #tpu.memory_space<hbm>>
        %dma_wait3A_109 = tpu.memref_squeeze %dma_wait3A_108 : memref<1x16x128xf32, #tpu.memory_space<hbm>> -> memref<16x128xf32, #tpu.memory_space<hbm>>
        %dma_wait3A_110 = arith.constant 9984 : i32
        %dma_wait3A_111 = arith.constant 0 : i32
        %dma_wait3A_112 = tpu.memref_slice %arg7[%dma_wait3A_110, %dma_wait3A_111] : memref<10000x128xf32, #tpu.memory_space<vmem_shared>> -> memref<16x128xf32, #tpu.memory_space<vmem_shared>>
        tpu.wait_dma2 semaphore(%run_scoped3A : memref<!tpu.dma_semaphore, #tpu.memory_space<semaphore_mem>>) src(%dma_wait3A_112 : memref<16x128xf32, #tpu.memory_space<vmem_shared>>) dst(%dma_wait3A_109 : memref<16x128xf32, #tpu.memory_space<hbm>>)
        tpu.yield
      }) : () -> ()
    } else {
    }
    return
  }
}

module attributes {stable_mosaic.version = 14 : i64} {
  func.func @_proj_body(%arg0: i32, %arg1: memref<3200x16xf32, #tpu.memory_space<vmem>>, %arg2: memref<16x128xf32, #tpu.memory_space<vmem>>, %arg3: memref<1x128xf32, #tpu.memory_space<vmem>>, %arg4: memref<3200x128xf32, #tpu.memory_space<vmem>>) attributes {dimension_semantics = [#tpu.dimension_semantics<arbitrary>], iteration_bounds = array<i64: 100>, scalar_prefetch = 0 : i64, scratch_operands = 0 : i64, tpu.core_type = #tpu.core_type<tc>, window_params = [{transform_indices = @transform_0, window_bounds = array<i64: 3200, 16>}, {pipeline_mode = #tpu.pipeline_mode<synchronous>, transform_indices = @transform_1, window_bounds = array<i64: 16, 128>}, {pipeline_mode = #tpu.pipeline_mode<synchronous>, transform_indices = @transform_2, window_bounds = array<i64: 1, 128>}, {transform_indices = @transform_3, window_bounds = array<i64: 3200, 128>}]} {
    %get3A = arith.constant 0 : index
    %get3A_0 = arith.constant 0 : index
    %get3A_1 = vector.load %arg1[%get3A, %get3A_0] : memref<3200x16xf32, #tpu.memory_space<vmem>>, vector<3200x16xf32>
    %get3A_2 = arith.constant 0 : index
    %get3A_3 = arith.constant 0 : index
    %get3A_4 = vector.load %arg2[%get3A_2, %get3A_3] : memref<16x128xf32, #tpu.memory_space<vmem>>, vector<16x128xf32>
    %dot_general3A = arith.constant dense<0.000000e+00> : vector<3200x128xf32>
    %dot_general3A_5 = tpu.matmul %get3A_1, %get3A_4, %dot_general3A {dimension_numbers = #tpu.dot_dimension_numbers<[1], [0], [0], [1], [0, 0, 1, 1], [], []>, transpose_lhs_hint = false} : vector<3200x16xf32>, vector<16x128xf32>, vector<3200x128xf32> -> vector<3200x128xf32>
    %get3A_6 = arith.constant 0 : index
    %get3A_7 = arith.constant 0 : index
    %get3A_8 = vector.load %arg3[%get3A_6, %get3A_7] : memref<1x128xf32, #tpu.memory_space<vmem>>, vector<1x128xf32>
    %add3A = vector.broadcast %get3A_8 : vector<1x128xf32> to vector<3200x128xf32>
    %add3A_9 = arith.addf %dot_general3A_5, %add3A : vector<3200x128xf32>
    %swap3A = arith.constant 0 : index
    %swap3A_10 = arith.constant 0 : index
    %swap3A_11 = vector.load %arg4[%swap3A, %swap3A_10] : memref<3200x128xf32, #tpu.memory_space<vmem>>, vector<3200x128xf32>
    tpu.vector_store %arg4[%swap3A, %swap3A_10], %add3A_9 {strides = array<i32>} : memref<3200x128xf32, #tpu.memory_space<vmem>>, vector<3200x128xf32>,
    return
  }
  func.func @transform_0(%arg0: i32) -> (i32, i32) {
    %c0_i32 = arith.constant 0 : i32
    %c0_i32_0 = arith.constant 0 : i32
    return %arg0, %c0_i32 : i32, i32
  }
  func.func @transform_1(%arg0: i32) -> (i32, i32) {
    %c0_i32 = arith.constant 0 : i32
    %c0_i32_0 = arith.constant 0 : i32
    %c0_i32_1 = arith.constant 0 : i32
    return %c0_i32, %c0_i32_0 : i32, i32
  }
  func.func @transform_2(%arg0: i32) -> (i32, i32) {
    %c0_i32 = arith.constant 0 : i32
    %c0_i32_0 = arith.constant 0 : i32
    %c0_i32_1 = arith.constant 0 : i32
    return %c0_i32, %c0_i32_0 : i32, i32
  }
  func.func @transform_3(%arg0: i32) -> (i32, i32) {
    %c0_i32 = arith.constant 0 : i32
    %c0_i32_0 = arith.constant 0 : i32
    return %arg0, %c0_i32 : i32, i32
  }
}

module attributes {stable_mosaic.version = 14 : i64} {
  func.func @_mlp_body(%arg0: memref<1xf32, #tpu.memory_space<smem>>, %arg1: memref<10000x128xf32, #tpu.memory_space<vmem>>, %arg2: memref<2x10000x128xf32, #tpu.memory_space<vmem>>, %arg3: memref<128x256xf32, #tpu.memory_space<vmem>>, %arg4: memref<1x256xf32, #tpu.memory_space<vmem>>, %arg5: memref<1x256xf32, #tpu.memory_space<vmem>>, %arg6: memref<1x256xf32, #tpu.memory_space<vmem>>, %arg7: memref<256x128xf32, #tpu.memory_space<vmem>>, %arg8: memref<1x128xf32, #tpu.memory_space<vmem>>, %arg9: memref<1x128xf32, #tpu.memory_space<vmem>>, %arg10: memref<1x128xf32, #tpu.memory_space<vmem>>, %arg11: memref<10000x128xf32, #tpu.memory_space<vmem>>) attributes {dimension_semantics = [], scalar_prefetch = 0 : i64, scratch_operands = 0 : i64, tpu.core_type = #tpu.core_type<tc>} {
    %get3A = arith.constant 0 : index
    %get3A_0 = arith.constant 0 : index
    %get3A_1 = arith.constant 0 : index
    %get3A_2 = vector.load %arg2[%get3A, %get3A_0, %get3A_1] : memref<2x10000x128xf32, #tpu.memory_space<vmem>>, vector<1x10000x128xf32>
    %get3A_3 = vector.shape_cast %get3A_2 : vector<1x10000x128xf32> to vector<10000x128xf32>
    %get3A_4 = arith.constant 1 : index
    %get3A_5 = arith.constant 0 : index
    %get3A_6 = arith.constant 0 : index
    %get3A_7 = vector.load %arg2[%get3A_4, %get3A_5, %get3A_6] : memref<2x10000x128xf32, #tpu.memory_space<vmem>>, vector<1x10000x128xf32>
    %get3A_8 = vector.shape_cast %get3A_7 : vector<1x10000x128xf32> to vector<10000x128xf32>
    %add3A = arith.addf %get3A_3, %get3A_8 : vector<10000x128xf32>
    %get3A_9 = arith.constant 0 : index
    %get3A_10 = memref.load %arg0[%get3A_9] : memref<1xf32, #tpu.memory_space<smem>>
    %add3A_11 = arith.constant 1.000000e+00 : f32
    %add3A_12 = arith.addf %add3A_11, %get3A_10 : f32
    %get3A_13 = arith.constant 0 : index
    %get3A_14 = arith.constant 0 : index
    %get3A_15 = vector.load %arg1[%get3A_13, %get3A_14] : memref<10000x128xf32, #tpu.memory_space<vmem>>, vector<10000x128xf32>
    %mul3A = vector.broadcast %add3A_12 : f32 to vector<10000x128xf32>
    %mul3A_16 = arith.mulf %mul3A, %get3A_15 : vector<10000x128xf32>
    %add3A_17 = arith.addf %mul3A_16, %add3A : vector<10000x128xf32>
    %get3A_18 = arith.constant 0 : index
    %get3A_19 = arith.constant 0 : index
    %get3A_20 = vector.load %arg3[%get3A_18, %get3A_19] : memref<128x256xf32, #tpu.memory_space<vmem>>, vector<128x256xf32>
    %dot_general3A = arith.constant dense<0.000000e+00> : vector<10000x256xf32>
    %dot_general3A_21 = tpu.matmul %add3A_17, %get3A_20, %dot_general3A {dimension_numbers = #tpu.dot_dimension_numbers<[1], [0], [0], [1], [0, 0, 1, 1], [], []>, transpose_lhs_hint = false} : vector<10000x128xf32>, vector<128x256xf32>, vector<10000x256xf32> -> vector<10000x256xf32>
    %get3A_22 = arith.constant 0 : index
    %get3A_23 = arith.constant 0 : index
    %get3A_24 = vector.load %arg4[%get3A_22, %get3A_23] : memref<1x256xf32, #tpu.memory_space<vmem>>, vector<1x256xf32>
    %add3A_25 = vector.broadcast %get3A_24 : vector<1x256xf32> to vector<10000x256xf32>
    %add3A_26 = arith.addf %dot_general3A_21, %add3A_25 : vector<10000x256xf32>
    %get3A_27 = arith.constant 0 : index
    %get3A_28 = arith.constant 0 : index
    %get3A_29 = vector.load %arg5[%get3A_27, %get3A_28] : memref<1x256xf32, #tpu.memory_space<vmem>>, vector<1x256xf32>
    %get3A_30 = arith.constant 0 : index
    %get3A_31 = arith.constant 0 : index
    %get3A_32 = vector.load %arg6[%get3A_30, %get3A_31] : memref<1x256xf32, #tpu.memory_space<vmem>>, vector<1x256xf32>
    %reduce_sum3A = arith.constant dense<0.000000e+00> : vector<256xf32>
    %reduce_sum3A_33 = vector.multi_reduction <add>, %add3A_26, %reduce_sum3A [0] : vector<10000x256xf32> to vector<256xf32>
    %broadcast_in_dim3A = vector.shape_cast %reduce_sum3A_33 : vector<256xf32> to vector<1x256xf32>
    %div3A = arith.constant 1.000000e+04 : f32
    %div3A_34 = vector.broadcast %div3A : f32 to vector<1x256xf32>
    %div3A_35 = arith.divf %broadcast_in_dim3A, %div3A_34 : vector<1x256xf32>
    %sub3A = vector.broadcast %div3A_35 : vector<1x256xf32> to vector<10000x256xf32>
    %sub3A_36 = arith.subf %add3A_26, %sub3A : vector<10000x256xf32>
    %sub3A_37 = vector.broadcast %div3A_35 : vector<1x256xf32> to vector<10000x256xf32>
    %sub3A_38 = arith.subf %add3A_26, %sub3A_37 : vector<10000x256xf32>
    %mul3A_39 = arith.mulf %sub3A_36, %sub3A_38 : vector<10000x256xf32>
    %reduce_sum3A_40 = arith.constant dense<0.000000e+00> : vector<256xf32>
    %reduce_sum3A_41 = vector.multi_reduction <add>, %mul3A_39, %reduce_sum3A_40 [0] : vector<10000x256xf32> to vector<256xf32>
    %broadcast_in_dim3A_42 = vector.shape_cast %reduce_sum3A_41 : vector<256xf32> to vector<1x256xf32>
    %div3A_43 = arith.constant 1.000000e+04 : f32
    %div3A_44 = vector.broadcast %div3A_43 : f32 to vector<1x256xf32>
    %div3A_45 = arith.divf %broadcast_in_dim3A_42, %div3A_44 : vector<1x256xf32>
    %sub3A_46 = vector.broadcast %div3A_35 : vector<1x256xf32> to vector<10000x256xf32>
    %sub3A_47 = arith.subf %add3A_26, %sub3A_46 : vector<10000x256xf32>
    %add3A_48 = arith.constant 9.99999974E-6 : f32
    %add3A_49 = vector.broadcast %add3A_48 : f32 to vector<1x256xf32>
    %add3A_50 = arith.addf %div3A_45, %add3A_49 : vector<1x256xf32>
    %rsqrt3A = math.rsqrt %add3A_50 : vector<1x256xf32>
    %mul3A_51 = vector.broadcast %rsqrt3A : vector<1x256xf32> to vector<10000x256xf32>
    %mul3A_52 = arith.mulf %sub3A_47, %mul3A_51 : vector<10000x256xf32>
    %mul3A_53 = vector.broadcast %get3A_29 : vector<1x256xf32> to vector<10000x256xf32>
    %mul3A_54 = arith.mulf %mul3A_52, %mul3A_53 : vector<10000x256xf32>
    %add3A_55 = vector.broadcast %get3A_32 : vector<1x256xf32> to vector<10000x256xf32>
    %add3A_56 = arith.addf %mul3A_54, %add3A_55 : vector<10000x256xf32>
    %neg3A = arith.constant 0.000000e+00 : f32
    %neg3A_57 = vector.broadcast %neg3A : f32 to vector<10000x256xf32>
    %neg3A_58 = arith.subf %neg3A_57, %add3A_56 : vector<10000x256xf32>
    %exp3A = math.exp %neg3A_58 : vector<10000x256xf32>
    %add3A_59 = arith.constant 1.000000e+00 : f32
    %add3A_60 = vector.broadcast %add3A_59 : f32 to vector<10000x256xf32>
    %add3A_61 = arith.addf %add3A_60, %exp3A : vector<10000x256xf32>
    %div3A_62 = arith.constant 1.000000e+00 : f32
    %div3A_63 = vector.broadcast %div3A_62 : f32 to vector<10000x256xf32>
    %div3A_64 = arith.divf %div3A_63, %add3A_61 : vector<10000x256xf32>
    %mul3A_65 = arith.mulf %add3A_56, %div3A_64 : vector<10000x256xf32>
    %get3A_66 = arith.constant 0 : index
    %get3A_67 = arith.constant 0 : index
    %get3A_68 = vector.load %arg7[%get3A_66, %get3A_67] : memref<256x128xf32, #tpu.memory_space<vmem>>, vector<256x128xf32>
    %dot_general3A_69 = arith.constant dense<0.000000e+00> : vector<10000x128xf32>
    %dot_general3A_70 = tpu.matmul %mul3A_65, %get3A_68, %dot_general3A_69 {dimension_numbers = #tpu.dot_dimension_numbers<[1], [0], [0], [1], [0, 0, 1, 1], [], []>, transpose_lhs_hint = false} : vector<10000x256xf32>, vector<256x128xf32>, vector<10000x128xf32> -> vector<10000x128xf32>
    %get3A_71 = arith.constant 0 : index
    %get3A_72 = arith.constant 0 : index
    %get3A_73 = vector.load %arg8[%get3A_71, %get3A_72] : memref<1x128xf32, #tpu.memory_space<vmem>>, vector<1x128xf32>
    %add3A_74 = vector.broadcast %get3A_73 : vector<1x128xf32> to vector<10000x128xf32>
    %add3A_75 = arith.addf %dot_general3A_70, %add3A_74 : vector<10000x128xf32>
    %get3A_76 = arith.constant 0 : index
    %get3A_77 = arith.constant 0 : index
    %get3A_78 = vector.load %arg9[%get3A_76, %get3A_77] : memref<1x128xf32, #tpu.memory_space<vmem>>, vector<1x128xf32>
    %get3A_79 = arith.constant 0 : index
    %get3A_80 = arith.constant 0 : index
    %get3A_81 = vector.load %arg10[%get3A_79, %get3A_80] : memref<1x128xf32, #tpu.memory_space<vmem>>, vector<1x128xf32>
    %reduce_sum3A_82 = arith.constant dense<0.000000e+00> : vector<128xf32>
    %reduce_sum3A_83 = vector.multi_reduction <add>, %add3A_75, %reduce_sum3A_82 [0] : vector<10000x128xf32> to vector<128xf32>
    %broadcast_in_dim3A_84 = vector.shape_cast %reduce_sum3A_83 : vector<128xf32> to vector<1x128xf32>
    %div3A_85 = arith.constant 1.000000e+04 : f32
    %div3A_86 = vector.broadcast %div3A_85 : f32 to vector<1x128xf32>
    %div3A_87 = arith.divf %broadcast_in_dim3A_84, %div3A_86 : vector<1x128xf32>
    %sub3A_88 = vector.broadcast %div3A_87 : vector<1x128xf32> to vector<10000x128xf32>
    %sub3A_89 = arith.subf %add3A_75, %sub3A_88 : vector<10000x128xf32>
    %sub3A_90 = vector.broadcast %div3A_87 : vector<1x128xf32> to vector<10000x128xf32>
    %sub3A_91 = arith.subf %add3A_75, %sub3A_90 : vector<10000x128xf32>
    %mul3A_92 = arith.mulf %sub3A_89, %sub3A_91 : vector<10000x128xf32>
    %reduce_sum3A_93 = arith.constant dense<0.000000e+00> : vector<128xf32>
    %reduce_sum3A_94 = vector.multi_reduction <add>, %mul3A_92, %reduce_sum3A_93 [0] : vector<10000x128xf32> to vector<128xf32>
    %broadcast_in_dim3A_95 = vector.shape_cast %reduce_sum3A_94 : vector<128xf32> to vector<1x128xf32>
    %div3A_96 = arith.constant 1.000000e+04 : f32
    %div3A_97 = vector.broadcast %div3A_96 : f32 to vector<1x128xf32>
    %div3A_98 = arith.divf %broadcast_in_dim3A_95, %div3A_97 : vector<1x128xf32>
    %sub3A_99 = vector.broadcast %div3A_87 : vector<1x128xf32> to vector<10000x128xf32>
    %sub3A_100 = arith.subf %add3A_75, %sub3A_99 : vector<10000x128xf32>
    %add3A_101 = arith.constant 9.99999974E-6 : f32
    %add3A_102 = vector.broadcast %add3A_101 : f32 to vector<1x128xf32>
    %add3A_103 = arith.addf %div3A_98, %add3A_102 : vector<1x128xf32>
    %rsqrt3A_104 = math.rsqrt %add3A_103 : vector<1x128xf32>
    %mul3A_105 = vector.broadcast %rsqrt3A_104 : vector<1x128xf32> to vector<10000x128xf32>
    %mul3A_106 = arith.mulf %sub3A_100, %mul3A_105 : vector<10000x128xf32>
    %mul3A_107 = vector.broadcast %get3A_78 : vector<1x128xf32> to vector<10000x128xf32>
    %mul3A_108 = arith.mulf %mul3A_106, %mul3A_107 : vector<10000x128xf32>
    %add3A_109 = vector.broadcast %get3A_81 : vector<1x128xf32> to vector<10000x128xf32>
    %add3A_110 = arith.addf %mul3A_108, %add3A_109 : vector<10000x128xf32>
    %neg3A_111 = arith.constant 0.000000e+00 : f32
    %neg3A_112 = vector.broadcast %neg3A_111 : f32 to vector<10000x128xf32>
    %neg3A_113 = arith.subf %neg3A_112, %add3A_110 : vector<10000x128xf32>
    %exp3A_114 = math.exp %neg3A_113 : vector<10000x128xf32>
    %add3A_115 = arith.constant 1.000000e+00 : f32
    %add3A_116 = vector.broadcast %add3A_115 : f32 to vector<10000x128xf32>
    %add3A_117 = arith.addf %add3A_116, %exp3A_114 : vector<10000x128xf32>
    %div3A_118 = arith.constant 1.000000e+00 : f32
    %div3A_119 = vector.broadcast %div3A_118 : f32 to vector<10000x128xf32>
    %div3A_120 = arith.divf %div3A_119, %add3A_117 : vector<10000x128xf32>
    %mul3A_121 = arith.mulf %add3A_110, %div3A_120 : vector<10000x128xf32>
    %swap3A = arith.constant 0 : index
    %swap3A_122 = arith.constant 0 : index
    %swap3A_123 = vector.load %arg11[%swap3A, %swap3A_122] : memref<10000x128xf32, #tpu.memory_space<vmem>>, vector<10000x128xf32>
    tpu.vector_store %arg11[%swap3A, %swap3A_122], %mul3A_121 {strides = array<i32>} : memref<10000x128xf32, #tpu.memory_space<vmem>>, vector<10000x128xf32>,
    return
  }
}

</mosaic_0001>

<sc_bundles>
// kernel: kernel.5.cloned.1.call-start
scs
__scs_entry_jumppad:
0x0: {  	(pc) =	sbr.rel $0x88, $3  }
0x1: {  	(tag) =	ssettag $0x0;
	lr =	simm.s32 $0x1  }
0x2: {  	[smem:$0x3F93] =	sst lr;
	_ =	strace $0xD0000000  }
0x3: {  	_ = 	snop  }
0x4: {  	_ = 	snop  }
0x5: {  	_ = 	snop  }
0x6: {  	_ = 	snop  }
0x7: {  	_ = 	snop  }
__scs_overlays_trampoline_lowered:
0x8: {  	[smem:$0x3FA2] =	sst s0  }
0x9: {  	[smem:$0x3FA3] =	sst s1  }
0xa: {  	[smem:$0x3FA4] =	sst s2  }
0xb: {  	[smem:$0x3FA5] =	sst s3  }
0xc: {  	[smem:$0x3FA6] =	sst s4  }
0xd: {  	[smem:$0x3FA7] =	sst s5  }
0xe: {  	[smem:$0x3FA8] =	sst s6  }
0xf: {  	[smem:$0x3FA9] =	sst s7  }
0x10: {  	[smem:$0x3FAA] =	sst s8  }
0x11: {  	[smem:$0x3FAB] =	sst s9;
	s0 =	simm.s32 @!p0 $0x0  }
0x12: {  	s1 =	sld [smem:$0x3F91];
	s0 =	simm.s32 @p0 $0x1  }
0x13: {  	[smem:$0x3FAC] =	sst s0;
	s0 =	simm.s32 @!p1 $0x0  }
0x14: {  	s2 =	sld [smem:$0x3F90];
	s0 =	simm.s32 @p1 $0x1  }
0x15: {  	[smem:$0x3FAD] =	sst s0;
	s0 =	simm.s32 @!p2 $0x0  }
0x16: {  	s3 =	sld [smem:$0x3FDB];
	s0 =	simm.s32 @p2 $0x1  }
0x17: {  	s4 =	simm.s32 $0x1BF5;
	[smem:$0x3FAF] =	sst s0  }
0x18: {  	s0 =	sld [smem:$0x3F92];
	_ =	swait.ge [sflag:s4], $0x0  }
0x19: {  	s7 =	sld [smem:$0x3F93]  }
0x1a: {  	s8 =	sadd.s32 $0xFFFFE003, lr  }
0x1b: {  	s9 =	sadd.s32 $0xFFFFFEF7, lr;
	s5 =	simm.s32 $0xFFFFFFFF;
	p2 =	slt.u32 s8, $0xFFFFF086  }
0x1c: {  	p1 =	slt.u32 s9, $0xF7A;
	s5 =	simm.s32 @!p2 $0x0  }
0x1d: {  	s5 =	simm.s32 @p1 $0x1;
	p0 =	seq.s32 s7, s2  }
0x1e: {  	s7 =	smul.u32 @!p0 $0xF7A, s2;
	p2 =	seq.s32 @!p0 s5, $0x0  }
0x1f: {  	s9 =	smul.u32 $0xF7A, s1;
	s8 =	simm.s32 @!p0 $0x1BF5;
	p2 =	por !p2, p0  }
0x20: {  	[sflag:s8] =	ssyncset.s32 @!p0 $0xFFFFF086;
	s6 =	sadd.s32 @!p0 s3, s7;
	s7 =	simm.s32 @!p0 $0x108  }
0x21: {  	s3 =	sadd.s32 s3, s9;
	s6 =	sadd.s32 @!p0 $0x88, s6;
	s7 =	simm.s32 @p2 $0x1082  }
0x22: {  	[simem:s7], [sflag:s8] =	dma.local @!p0 [hbm:s6], $0xF7A  }
0x23: {  	s9 =	sor.u32 $0xD0000000, s2;
	s6 =	simm.s32 $0x108;
	_ =	swait.ge @!p0 [sflag:s8], $0x0  }
0x24: {  	s3 =	sadd.s32 $0x88, s3;
	s6 =	simm.s32 @!p1 $0x1082;
	[sflag:s4] =	ssyncset.s32 $0xFFFFF086  }
0x25: {  	[simem:s6], [sflag:s4] =	dma.local [hbm:s3], $0xF7A  }
0x26: {  	[smem:$0x3F93] =	sst s1;
	(tag) =	ssettag s2;
	_ =	strace s9  }
0x27: {  	s1 =	sld [smem:$0x3FA3]  }
0x28: {  	s2 =	sld [smem:$0x3FA4]  }
0x29: {  	s4 =	sld [smem:$0x3FA6]  }
0x2a: {  	p0 =	seq.s32 s5, $0x0;
	s5 =	sld [smem:$0x3FA7]  }
0x2b: {  	s6 =	sld [smem:$0x3FA8]  }
0x2c: {  	s7 =	sld [smem:$0x3FA9]  }
0x2d: {  	s3 =	simm.s32 $0x108;
	s8 =	sld [smem:$0x3FAA]  }
0x2e: {  	s3 =	simm.s32 @!p0 $0x1082;
	s9 =	sld [smem:$0x3FAB]  }
0x2f: {  	lr =	sadd.s32 s0, s3;
	s0 =	sld [smem:$0x3FA2]  }
0x30: {  	s3 =	sld [smem:$0x3FA5]  }
0x31: {  	[smem:$0x3FAE] =	sst s10  }
0x32: {  	s10 =	sld [smem:$0x3FAC];
	_ =	sdelay $0x3  }
0x33: {  	p0 =	seq.s32 s10, $0x1;
	s10 =	sld [smem:$0x3FAE];
	_ =	sdelay $0x3  }
0x34: {  	[smem:$0x3FAE] =	sst s10  }
0x35: {  	s10 =	sld [smem:$0x3FAD];
	_ =	sdelay $0x3  }
0x36: {  	p1 =	seq.s32 s10, $0x1;
	s10 =	sld [smem:$0x3FAE];
	_ =	sdelay $0x3  }
0x37: {  	[smem:$0x3FAE] =	sst s10  }
0x38: {  	s10 =	sld [smem:$0x3FAF]  }
0x39: {  	_ = 	snop;
	(pc) =	sbr.ind lr, $3  }
0x3a: {  	_ = 	snop  }
0x3b: {  	_ = 	snop  }
0x3c: {  	p2 =	seq.s32 s10, $0x1;
	s10 =	sld [smem:$0x3FAE]  }
0x3d: {  	_ =	shalt  }
0x3e: {  	_ =	shalt  }
0x3f: {  	_ =	shalt  }
0x40: {  	_ =	shalt  }
0x41: {  	_ =	shalt  }
0x42: {  	_ =	shalt  }
0x43: {  	_ =	shalt  }
0x44: {  	_ =	shalt  }
0x45: {  	_ =	shalt  }
0x46: {  	_ =	shalt  }
0x47: {  	_ =	shalt  }
0x48: {  	_ =	shalt  }
0x49: {  	_ =	shalt  }
0x4a: {  	_ =	shalt  }
0x4b: {  	_ =	shalt  }
0x4c: {  	_ =	shalt  }
0x4d: {  	_ =	shalt  }
0x4e: {  	_ =	shalt  }
0x4f: {  	_ =	shalt  }
0x50: {  	_ =	shalt  }
0x51: {  	_ =	shalt  }
0x52: {  	_ =	shalt  }
0x53: {  	_ =	shalt  }
0x54: {  	_ =	shalt  }
0x55: {  	_ =	shalt  }
0x56: {  	_ =	shalt  }
0x57: {  	_ =	shalt  }
0x58: {  	_ =	shalt  }
0x59: {  	_ =	shalt  }
0x5a: {  	_ =	shalt  }
0x5b: {  	_ =	shalt  }
0x5c: {  	_ =	shalt  }
0x5d: {  	_ =	shalt  }
0x5e: {  	_ =	shalt  }
0x5f: {  	_ =	shalt  }
0x60: {  	_ =	shalt  }
0x61: {  	_ =	shalt  }
0x62: {  	_ =	shalt  }
0x63: {  	_ =	shalt  }
0x64: {  	_ =	shalt  }
0x65: {  	_ =	shalt  }
0x66: {  	_ =	shalt  }
0x67: {  	_ =	shalt  }
0x68: {  	_ =	shalt  }
0x69: {  	_ =	shalt  }
0x6a: {  	_ =	shalt  }
0x6b: {  	_ =	shalt  }
0x6c: {  	_ =	shalt  }
0x6d: {  	_ =	shalt  }
0x6e: {  	_ =	shalt  }
0x6f: {  	_ =	shalt  }
0x70: {  	_ =	shalt  }
0x71: {  	_ =	shalt  }
0x72: {  	_ =	shalt  }
0x73: {  	_ =	shalt  }
0x74: {  	_ =	shalt  }
0x75: {  	_ =	shalt  }
0x76: {  	_ =	shalt  }
0x77: {  	_ =	shalt  }
0x78: {  	_ =	shalt  }
0x79: {  	_ =	shalt  }
0x7a: {  	_ =	shalt  }
0x7b: {  	_ =	shalt  }
0x7c: {  	_ =	shalt  }
0x7d: {  	_ =	shalt  }
0x7e: {  	_ =	shalt  }
0x7f: {  	_ =	shalt  }
0x80: {  	_ =	shalt  }
0x81: {  	_ =	shalt  }
0x82: {  	_ =	shalt  }
0x83: {  	_ =	shalt  }
0x84: {  	_ =	shalt  }
0x85: {  	_ =	shalt  }
0x86: {  	_ =	shalt  }
0x87: {  	_ =	shalt  }
.Lfunc_end0:
.L_simem_size_0:
called_computation_lowered:
.L_overlay_start_0:
0x88: {  	s2 =	sld [smem:$0x3FD9]  }
0x89: {  	s3 =	sld [smem:$0x3FFE];
	_ =	sdelay $0x1  }
0x8a: {  	s1 =	srdreg.scid  }
0x8b: {  	s0 =	sand.u32 $0x1, s1  }
0x8c: {  	s17 =	sshll.u32 s0, $0xA;
	s2 =	sadd.s32 s3, s2  }
0x8d: {  	s2 =	sadd.s32 s2, s17  }
0x8e: {  	[smem:$0x3FBA] =	sst s2  }
0x8f: {  	_ = 	snop  }
0x90: {  	s2 =	sld [smem:$0x3FC9]  }
0x91: {  	s18 =	sld [smem:$0x3FD0];
	(tm) =	ssettm $0x1  }
0x92: {  	s4 =	sld [smem:$0x3FFB];
	_ =	sdelay $0x3  }
0x93: {  	_ =	strace s4  }
0x94: {  	s4 =	sld [smem:$0x3FFC];
	_ =	sdelay $0x3  }
0x95: {  	_ =	strace s4  }
0x96: {  	s4 =	sld [smem:$0x3FFD];
	_ =	sdelay $0x3  }
0x97: {  	_ =	strace s4  }
0x98: {  	_ =	strace $0x8FFFFFFF  }
0x99: {  	s19 =	sld [smem:$0x3FDB];
	_ =	sdelay $0x1  }
0x9a: {  	s5 =	simm.s32 $_scs_section_size  }
0x9b: {  	s6 =	simm.s32 $_size__tile_overlayer_lowered;
	s7 =	simm.s32 $_tile_overlayer_lowered  }
0x9c: {  	s22 =	simm.s32 $0x1BFF;
	s21 =	sshll.u32 s7, $0x1;
	s4 =	sadd.s32 s5, s19  }
0x9d: {  	s8 =	simm.s32 $0x0;
	s20 =	sshll.u32 s6, $0x1;
	s6 =	sadd.s32 s21, s4  }
0x9e: {  	[timem:s8], [sflag:s22] =	dma.local [hbm:s6], s20  }
0x9f: {  	_ =	swait.ge [sflag:s22], s20  }
0xa0: {  	s5 =	ssub.s32 $0x0, s20;
	[sflag:s22] =	ssyncset.done $0x0  }
0xa1: {  	[sflag:s22] =	ssyncadd.s32 s5;
	_ =	sdelay $0x1  }
0xa2: {  	s23 =	simm.s32 $0x1B8B  }
0xa3: {  	_ =	swait.ge [sflag:s23], $0x1  }
0xa4: {  	[sflag:s23] =	ssyncset.done $0x0  }
0xa5: {  	s25 =	simm.s32 $0x1B8E;
	s24 =	sld [smem:$0x3FFE];
	[sflag:s23] =	ssyncadd.s32 $0xFFFFFFFF  }
0xa6: {  	s26 =	simm.s32 $execute0_lowered;
	[smem:$0x3FD2] =	sst s25  }
0xa7: {  	s6 =	sshll.u32 s26, $0x1;
	_ =	strace $0x80000046;
	[dreg:$0x1] =	wrdreg $0xFFFFFFFF  }
0xa8: {  	s28 =	simm.s32 $_size_execute0_lowered;
	s4 =	sadd.s32 s4, s6;
	[dreg:$0x0] =	wrdreg $0x0  }
0xa9: {  	s6 =	sshll.u32 s28, $0x1;
	[dreg:$0x2] =	wrdreg s4  }
0xaa: {  	[dreg:$0x3] =	wrdreg s6  }
0xab: {  	[dreg:$0x4] =	wrdreg $0xC0  }
0xac: {  	_ =	task [dreg:s8], $0x5FFFF  }
0xad: {  	[dreg:$0x1] =	wrdreg $0xFFFFFFFF  }
0xae: {  	[dreg:$0x0] =	wrdreg $0x60  }
0xaf: {  	[dreg:$0x2] =	wrdreg s2  }
0xb0: {  	[dreg:$0x3] =	wrdreg s24  }
0xb1: {  	[dreg:$0x4] =	wrdreg s18  }
0xb2: {  	[dreg:$0x5] =	wrdreg $0x0  }
0xb3: {  	[dreg:$0x6] =	wrdreg $0x9  }
0xb4: {  	_ =	task.clear_ibuf [dreg:s8], $0x7FFFF;
	_ =	strace $0x90000046  }
0xb5: {  	s29 =	simm.s32 $0x9;
	_ =	strace $0x80000048  }
0xb6: {  	_ =	swait.ge [sflag:s29], $0x1  }
0xb7: {  	[sflag:s29] =	ssyncadd.s32 $0xFFFFFFFF  }
0xb8: {  	_ =	strace $0x90000048  }
0xb9: {  	_ =	sfence  }
0xba: {  	s30 =	sld [smem:$0x0];
	_ =	sdelay $0x2  }
0xbb: {  	s31 =	sshll.u32 s1, $0xD;
	s1 =	sshrl.u32 s1, $0x2  }
0xbc: {  	s3 =	sand.u32 $0x4000, s31;
	s1 =	sadd.s32 s1, s30  }
0xbd: {  	s0 =	sor.u32 s3, s0;
	s1 =	sshll.u32 s1, $0x11  }
0xbe: {  	s0 =	sor.u32 s1, s0  }
0xbf: {  	s0 =	sadd.s32 $0x8F2B, s0  }
0xc0: {  	[sflag:s0] =	ssyncadd.remote.s32 $0x1  }
0xc1: {  	_ =	sfence.sel $0xFFFF  }
0xc2: {  	[dreg:$0x0] =	wrdreg $0xFFFFFFFF;
	(pc) =	sbr.abs _section_cstart, $3  }
0xc3: {  	[dreg:$0x1] =	wrdreg $0xFFFFFFFF  }
0xc4: {  	_ =	task.clear_ibuf [dreg:s8], $0x2FFFF;
	_ =	strace $0x9FFFFFFF  }
0xc5: {  	(tm) =	ssettm $0x7FFFFFFF  }
tec
execute0_lowered:
.L_overlay_start_1:
0x0: {  	(tag) =	ssettag $0x1  }
0x1: {  	s1 =	rddreg [dreg:$0x0]  }
0x2: {  	s0 =	rddreg [dreg:$0x1]  }
0x3: {  	s2 =	rddreg [dreg:$0x2]  }
0x4: {  	s3 =	rddreg [dreg:$0x3];
	s4 =	simm.s32 $0x0  }
0x5: {  	s15 =	stileid.u32;
	s5 =	srdreg.scid;
	s29 =	simm.s32 $0x13980  }
0x6: {  	s30 =	simm.s32 $0x7;
	s31 =	simm.s32 $0x13880;
	[smem:$0x7FF] =	sst s4  }
0x7: {  	s6 =	sadd.s32 $0x1400, s0;
	s8 =	smul.u32 $0x4E000, s15;
	s7 =	sadd.s32 $0x4ED200, s0  }
0x8: {  	s0 =	sadd.s32 $0xB200, s0;
	s5 =	sand.u32 $0x1, s5;
	s9 =	sshll.u32 s15, $0x1  }
0x9: {  	s20 =	smul.u32 $0x13800, s15;
	p0 =	sne.s32 s15, $0x0;
	s15 =	simm.s32 $0x5  }
0xa: {  	_ =	strace $0x80000047;
	s10 =	ssub.s32 $0x2, s5;
	s11 =	sshrl.u32 s8, $0x2  }
0xb: {  	s12 =	sshrl.u32 s10, $0x1;
	s8 =	sor.u32 s5, s9;
	s9 =	sadd.s32 s11, s3  }
0xc: {  	s5 =	smul.u32 $0x138800, s5;
	s10 =	ssub.s32 s10, s12;
	s11 =	sadd.s32 $0x2800, s9  }
0xd: {  	s26 =	smul.u32 $0xA, s8;
	s13 =	sadd.s32 $0x5000, s9;
	[dreg:$0x5] =	wrdreg s11  }
0xe: {  	s16 =	smul.u32 $0x500, s8;
	s14 =	sadd.s32 $0x7800, s9;
	[dreg:$0x6] =	wrdreg s13  }
0xf: {  	s21 =	smul.u32 $0x50, s8;
	s17 =	sadd.s32 $0xC800, s9;
	[dreg:$0x7] =	wrdreg s14  }
0x10: {  	s28 =	sor.u32 $0x60, s8;
	s18 =	sadd.s32 $0xF000, s9;
	[dreg:$0x9] =	wrdreg s17  }
0x11: {  	s19 =	sadd.s32 $0x11800, s9;
	s23 =	sadd.s32 s20, s5;
	[dreg:$0xa] =	wrdreg s18  }
0x12: {  	s5 =	sshrl.u32 s5, $0x3;
	s13 =	sadd.s32 $0xA000, s9;
	[dreg:$0xb] =	wrdreg s19  }
0x13: {  	s17 =	sadd.s32 $0x138000, s3;
	s14 =	sadd.s32 s6, s26;
	[dreg:$0x8] =	wrdreg s13  }
0x14: {  	s11 =	sadd.s32 s2, s26;
	s22 =	sadd.s32 s7, s16;
	[dreg:$0xc] =	wrdreg s14  }
0x15: {  	s24 =	sshrl.u32 s21, $0x3;
	s16 =	simm.s32 $0x18A80;
	[dreg:$0xd] =	wrdreg s11  }
0x16: {  	[dreg:$0xe] =	wrdreg s22;
	s11 =	sshrl.u32 s23, $0x3;
	s12 =	sadd.s32 $0x140, s24  }
0x17: {  	s13 =	simm.s32 $0x2;
	s14 =	simm.s32 $0x6;
	s11 =	sadd.s32 s0, s11  }
.Ltmp0:
0x18: {  	s25 =	sadd.s32 s6, s12;
	[dreg:$0xf] =	wrdreg s11;
	(pc) =	sbr.rel .LBB2_1-.Ltmp0, $4  }
0x19: {  	s0 =	sadd.s32 s0, s5;
	s26 =	sadd.s32 s2, s12;
	[dreg:$0x10] =	wrdreg s25  }
0x1a: {  	s5 =	simm.s32 $0x1;
	s12 =	simm.s32 $0x3;
	[dreg:$0x11] =	wrdreg s26  }
0x1b: {  	s24 =	sadd.s32 $0x27000, s0;
	s25 =	smax.u32 s10, $0x1;
	s26 =	sor.u32 $0x40, s8  }
0x1c: {  	v0 =	vimm.f32 $0.0e+00;
	s0 =	simm.s32 $0x13900;
	s10 =	simm.s32 $0x50;
	s11 =	simm.s32 $0x18A00  }
.LBB2_11:
0x1d: {  	s18 =	stileid.u32  }
0x1e: {  	[bflag:$0x0] =	sbarrier.arrive $0xFFFF;
	s18 =	sshll.u32 s18, $0x6  }
0x1f: {  	s19 =	sshrl.u32 s9, $0x3;
	s20 =	rddreg [dreg:$0xf];
	s18 =	sor.u32 $0x1C07, s18  }
0x20: {  	[hbm:s20], [sflag:s18] =	dma.local [spmem:s19], $0x2700  }
0x21: {  	_ =	swait.ge [sflag:s30], $0x2700  }
0x22: {  	s4 =	sadd.s32 $0x1, s4;
	[sflag:s30] =	ssyncset.done $0x0  }
0x23: {  	p1 =	sne.s32 s4, s25;
	s19 =	sshrl.u32 @!p0 s17, $0x3;
	[sflag:s30] =	ssyncadd.s32 $0xFFFFD900  }
0x24: {  	[hbm:s24], [sflag:s18] =	dma.local @!p0 [spmem:s19], $0x100  }
.Ltmp1:
0x25: {  	_ = 	snop;
	(pc) =	sbr.rel @!p1 .LBB2_12-.Ltmp1, $4  }
0x26: {  	s18 =	simm.s32 @!p0 $0x7  }
0x27: {  	_ =	swait.ge @!p0 [sflag:s18], $0x100  }
0x28: {  	[sflag:s18] =	ssyncset.done @!p0 $0x0  }
0x29: {  	[sflag:s18] =	ssyncadd.s32 @!p0 $0xFFFFFF00  }
.LBB2_1:
0x2a: {  	s18 =	simm.s32 $0x0;
	s19 =	simm.s32 $0x200  }
.LBB2_2:
0x2b: {  	p1 =	sne.s32 s19, $0x9E00;
	[tilespmem:s18+$0x139F0] =	vst v0  }
0x2c: {  	[tilespmem:s18+$0x13980] =	vst v0  }
0x2d: {  	[tilespmem:s18+$0x13990] =	vst v0  }
.Ltmp2:
0x2e: {  	[tilespmem:s18+$0x139A0] =	vst v0;
	(pc) =	sbr.rel @p1 .LBB2_2-.Ltmp2, $4  }
0x2f: {  	[tilespmem:s18+$0x139B0] =	vst v0  }
0x30: {  	[tilespmem:s18+$0x139C0] =	vst v0  }
0x31: {  	[tilespmem:s18+$0x139D0] =	vst v0  }
0x32: {  	[tilespmem:s18+$0x139E0] =	vst v0;
	s18 =	sshra.s32 s19, $0x2;
	s19 =	sadd.s32 $0x200, s19  }
0x33: {  	[tilespmem:s18+$0x139F0] =	vst v0  }
0x34: {  	[tilespmem:s18+$0x13980] =	vst v0  }
0x35: {  	[tilespmem:s18+$0x13990] =	vst v0  }
0x36: {  	[tilespmem:s18+$0x139A0] =	vst v0  }
0x37: {  	[tilespmem:s18+$0x139B0] =	vst v0  }
0x38: {  	[tilespmem:s18+$0x139C0] =	vst v0  }
0x39: {  	[tilespmem:s18+$0x139D0] =	vst v0  }
0x3a: {  	[tilespmem:s18+$0x139E0] =	vst v0  }
0x3b: {  	[spmem:s9] =	stream.linear.scatter [tilespmem:s29], [sflag:$0x7], $0x2800, $0x38;
	[tilespmem:$0x1DA80] =	vst v63  }
0x3c: {  	_ =	swait.ge [sflag:s30], $0x2800  }
0x3d: {  	[sflag:s30] =	ssyncset.done $0x0  }
0x3e: {  	s20 =	rddreg [dreg:$0x5];
	[sflag:s30] =	ssyncadd.s32 $0xFFFFD800  }
0x3f: {  	[spmem:s20] =	stream.linear.scatter [tilespmem:s29], [sflag:$0x7], $0x2800, $0x38;
	[tilespmem:$0x1DA80] =	vst v63  }
0x40: {  	_ =	swait.ge [sflag:s30], $0x2800  }
0x41: {  	[sflag:s30] =	ssyncset.done $0x0  }
0x42: {  	s21 =	rddreg [dreg:$0x6];
	[sflag:s30] =	ssyncadd.s32 $0xFFFFD800  }
0x43: {  	[spmem:s21] =	stream.linear.scatter [tilespmem:s29], [sflag:$0x7], $0x2800, $0x38;
	[tilespmem:$0x1DA80] =	vst v63  }
0x44: {  	_ =	swait.ge [sflag:s30], $0x2800  }
0x45: {  	[sflag:s30] =	ssyncset.done $0x0  }
0x46: {  	s22 =	rddreg [dreg:$0x7];
	[sflag:s30] =	ssyncadd.s32 $0xFFFFD800  }
0x47: {  	[spmem:s22] =	stream.linear.scatter [tilespmem:s29], [sflag:$0x7], $0x2800, $0x38;
	[tilespmem:$0x1DA80] =	vst v63  }
0x48: {  	_ =	swait.ge [sflag:s30], $0x2800  }
0x49: {  	[sflag:s30] =	ssyncset.done $0x0  }
0x4a: {  	s23 =	rddreg [dreg:$0x8];
	[sflag:s30] =	ssyncadd.s32 $0xFFFFD800  }
0x4b: {  	[spmem:s23] =	stream.linear.scatter [tilespmem:s29], [sflag:$0x7], $0x2800, $0x38;
	[tilespmem:$0x1DA80] =	vst v63  }
0x4c: {  	_ =	swait.ge [sflag:s30], $0x2800  }
0x4d: {  	[sflag:s30] =	ssyncset.done $0x0  }
0x4e: {  	s19 =	rddreg [dreg:$0x9];
	[sflag:s30] =	ssyncadd.s32 $0xFFFFD800  }
0x4f: {  	[spmem:s19] =	stream.linear.scatter [tilespmem:s29], [sflag:$0x7], $0x2800, $0x38;
	[tilespmem:$0x1DA80] =	vst v63  }
0x50: {  	_ =	swait.ge [sflag:s30], $0x2800  }
0x51: {  	[sflag:s30] =	ssyncset.done $0x0  }
0x52: {  	s20 =	rddreg [dreg:$0xa];
	[sflag:s30] =	ssyncadd.s32 $0xFFFFD800  }
0x53: {  	[spmem:s20] =	stream.linear.scatter [tilespmem:s29], [sflag:$0x7], $0x2800, $0x38;
	[tilespmem:$0x1DA80] =	vst v63  }
0x54: {  	_ =	swait.ge [sflag:s30], $0x2800  }
0x55: {  	[sflag:s30] =	ssyncset.done $0x0  }
0x56: {  	s21 =	rddreg [dreg:$0xb];
	[sflag:s30] =	ssyncadd.s32 $0xFFFFD800  }
0x57: {  	[spmem:s21] =	stream.linear.scatter [tilespmem:s29], [sflag:$0x7], $0x2000, $0x38;
	[tilespmem:$0x1DA80] =	vst v63  }
0x58: {  	_ =	swait.ge [sflag:s30], $0x2000  }
0x59: {  	[sflag:s30] =	ssyncset.done $0x0  }
0x5a: {  	s18 =	simm.s32 @!p0 $0x13980;
	[sflag:s30] =	ssyncadd.s32 $0xFFFFE000  }
0x5b: {  	[spmem:s17] =	stream.linear.scatter @!p0 [tilespmem:s18], [sflag:$0x7], $0x800, $0x38;
	[tilespmem:$0x1DA80] =	vst v63  }
0x5c: {  	s18 =	simm.s32 @!p0 $0x7  }
0x5d: {  	_ =	swait.ge @!p0 [sflag:s18], $0x800  }
0x5e: {  	[sflag:s18] =	ssyncset.done @!p0 $0x0  }
0x5f: {  	[sflag:s18] =	ssyncadd.s32 @!p0 $0xFFFFF800  }
0x60: {  	[bflag:$0x0] =	sbarrier.arrive $0xFFFF  }
0x61: {  	s18 =	simm.s32 $0x0;
	s19 =	rddreg [dreg:$0xc]  }
0x62: {  	[tilespmem:s31], [sflag:$0x1] =	stream.linear.gather [hbm4b:s19+s18], $0x50, $0x38;
	[tilespmem:$0x1DA80] =	vst v63  }
0x63: {  	s22 =	rddreg [dreg:$0xd]  }
0x64: {  	[tilespmem:s0], [sflag:$0x1] =	stream.linear.gather [hbm4b:s22+s18], $0x50, $0x38;
	[tilespmem:$0x1DA80] =	vst v63  }
0x65: {  	_ =	swait.ge [sflag:s5], $0x50  }
0x66: {  	[sflag:s5] =	ssyncset.done $0x0  }
0x67: {  	[sflag:s5] =	ssyncadd.s32 $0xFFFFFFB0  }
0x68: {  	_ =	swait.ge [sflag:s5], $0x50  }
0x69: {  	[sflag:s5] =	ssyncset.done $0x0  }
0x6a: {  	s20 =	simm.s32 $0x16180;
	s23 =	rddreg [dreg:$0xe];
	[sflag:s5] =	ssyncadd.s32 $0xFFFFFFB0  }
0x6b: {  	[tilespmem:s20], [sflag:$0x3] =	stream.linear.gather [hbm4b:s23+s18], $0x2800, $0x38;
	[tilespmem:$0x1DA80] =	vst v63  }
0x6c: {  	_ = 	snop  }
0x6d: {  	[tilespmem:s29], [sflag:$0x2] =	stream.indirect.gather [hbm4b:s1+s10], $0x80, s31, s10, $0xb8;
	[tilespmem:$0x1DA80] =	vst v63  }
.Ltmp3:
0x6e: {  	_ = 	snop;
	(pc) =	sbr.rel .LBB2_4-.Ltmp3, $4  }
0x6f: {  	s22 =	simm.s32 $0x18980;
	s21 =	rddreg [dreg:$0x10]  }
0x70: {  	[tilespmem:s22], [sflag:$0x4] =	stream.linear.gather [hbm4b:s21+s18], $0x50, $0x38;
	[tilespmem:$0x1DA80] =	vst v63  }
0x71: {  	s23 =	rddreg [dreg:$0x11]  }
0x72: {  	[tilespmem:s11], [sflag:$0x4] =	stream.linear.gather [hbm4b:s23+s18], $0x50, $0x38;
	[tilespmem:$0x1DA80] =	vst v63  }
.LBB2_10:
0x73: {  	p1 =	sgt.u32 s18, $0x3C  }
0x74: {  	s19 =	sshll.u32 @!p1 s18, $0x6  }
0x75: {  	s19 =	sadd.s32 @!p1 s28, s19  }
0x76: {  	s19 =	smul.u32 @!p1 $0xA, s19;
	_ =	sdelay $0x1  }
0x77: {  	s21 =	simm.s32 @!p1 $0x0;
	s22 =	simm.s32 @!p1 $0x18980;
	s20 =	sadd.s32 @!p1 s6, s19  }
0x78: {  	[tilespmem:s22], [sflag:$0x4] =	stream.linear.gather @!p1 [hbm4b:s20+s21], $0x50, $0x38;
	[tilespmem:$0x1DA80] =	vst v63  }
0x79: {  	s18 =	sadd.s32 $0x1, s18;
	s19 =	sadd.s32 @!p1 s2, s19;
	s20 =	simm.s32 @!p1 $0x18A00  }
0x7a: {  	[tilespmem:s20], [sflag:$0x4] =	stream.linear.gather @!p1 [hbm4b:s19+s21], $0x50, $0x38;
	[tilespmem:$0x1DA80] =	vst v63  }
0x7b: {  	p1 =	sne.s32 s18, $0x3F  }
.Ltmp4:
0x7c: {  	_ = 	snop;
	(pc) =	sbr.rel @!p1 .LBB2_11-.Ltmp4, $1  }
0x7d: {  	_ =	sdelay $0x3  }
.LBB2_4:
0x7e: {  	s19 =	sshllo.u32 s18, $0x1  }
0x7f: {  	p1 =	sgt.u32 s19, $0x7C  }
0x80: {  	s20 =	simm.s32 @!p1 $0x4  }
0x81: {  	_ =	swait.ge @!p1 [sflag:s20], $0x50  }
0x82: {  	s19 =	sshll.u32 @!p1 s19, $0x5;
	[sflag:s20] =	ssyncset.done @!p1 $0x0  }
0x83: {  	s19 =	sor.u32 @!p1 s8, s19;
	[sflag:s20] =	ssyncadd.s32 @!p1 $0xFFFFFFB0  }
0x84: {  	s19 =	smul.u32 @!p1 $0x500, s19;
	_ =	swait.ge @!p1 [sflag:s20], $0x50  }
0x85: {  	s21 =	simm.s32 @!p1 $0x1B280;
	[sflag:s20] =	ssyncset.done @!p1 $0x0  }
0x86: {  	s19 =	sadd.s32 @!p1 s7, s19;
	[sflag:s20] =	ssyncadd.s32 @!p1 $0xFFFFFFB0;
	s20 =	simm.s32 @!p1 $0x0  }
0x87: {  	[tilespmem:s21], [sflag:$0x6] =	stream.linear.gather @!p1 [hbm4b:s19+s20], $0x2800, $0x38;
	[tilespmem:$0x1DA80] =	vst v63  }
0x88: {  	s19 =	simm.s32 @!p1 $0x50;
	s20 =	simm.s32 @!p1 $0x18980;
	s21 =	simm.s32 @!p1 $0x18A80  }
0x89: {  	[tilespmem:s21], [sflag:$0x5] =	stream.indirect.gather @!p1 [hbm4b:s1+s19], $0x80, s20, s19, $0xb8;
	[tilespmem:$0x1DA80] =	vst v63  }
0x8a: {  	_ =	swait.ge [sflag:s12], $0x2800  }
0x8b: {  	[sflag:s12] =	ssyncset.done $0x0  }
0x8c: {  	[sflag:s12] =	ssyncadd.s32 $0xFFFFD800  }
0x8d: {  	_ =	swait.ge [sflag:s13], $0x2800  }
0x8e: {  	[sflag:s13] =	ssyncset.done $0x0  }
0x8f: {  	s19 =	simm.s32 $0x0;
	[sflag:s13] =	ssyncadd.s32 $0xFFFFD800  }
0x90: {  	v7 =	vld [tilespmem:s19+$0x16180]  }
0x91: {  	v12 =	vld [tilespmem:s19+$0x16190]  }
0x92: {  	v6 =	vld [tilespmem:s19+$0x161A0]  }
0x93: {  	v5 =	vld [tilespmem:s19+$0x161B0]  }
0x94: {  	v4 =	vld [tilespmem:s19+$0x161C0]  }
0x95: {  	v3 =	vld [tilespmem:s19+$0x161D0]  }
0x96: {  	v2 =	vld [tilespmem:s19+$0x161E0]  }
0x97: {  	v1 =	vld [tilespmem:s19+$0x161F0]  }
0x98: {  	v13 =	vld [tilespmem:s19+$0x13980]  }
0x99: {  	v14 =	vld [tilespmem:s19+$0x13990]  }
0x9a: {  	v11 =	vld [tilespmem:s19+$0x139A0]  }
0x9b: {  	v10 =	vld [tilespmem:s19+$0x139B0]  }
0x9c: {  	v9 =	vld [tilespmem:s19+$0x139C0]  }
0x9d: {  	v8 =	vld [tilespmem:s19+$0x139D0];
	v13 =	vadd.f32 v7, v13  }
0x9e: {  	s20 =	simm.s32 $0x200;
	v12 =	vadd.f32 v12, v14;
	v7 =	vld [tilespmem:s19+$0x139E0]  }
.LBB2_5:
0x9f: {  	s21 =	sshra.s32 s20, $0x2;
	p2 =	sne.s32 s20, $0x9E00;
	v13 =	vmax.f32 v13, $0.0e+00;
	v6 =	vadd.f32 v6, v11;
	v11 =	vld [tilespmem:s19+$0x139F0]  }
0xa0: {  	v14 =	vld [tilespmem:s21+$0x16180];
	[tilespmem:s19+$0x13980] =	vst v13;
	v12 =	vmax.f32 v12, $0.0e+00;
	v5 =	vadd.f32 v5, v10  }
0xa1: {  	v15 =	vld [tilespmem:s21+$0x16190];
	[tilespmem:s19+$0x13990] =	vst v12;
	v10 =	vmax.f32 v6, $0.0e+00;
	v4 =	vadd.f32 v4, v9  }
0xa2: {  	v6 =	vld [tilespmem:s21+$0x161A0];
	[tilespmem:s19+$0x139A0] =	vst v10;
	v9 =	vmax.f32 v5, $0.0e+00;
	v3 =	vadd.f32 v3, v8  }
0xa3: {  	v5 =	vld [tilespmem:s21+$0x161B0];
	[tilespmem:s19+$0x139B0] =	vst v9;
	v8 =	vmax.f32 v4, $0.0e+00;
	v2 =	vadd.f32 v2, v7  }
0xa4: {  	v4 =	vld [tilespmem:s21+$0x161C0];
	[tilespmem:s19+$0x139C0] =	vst v8;
	v7 =	vmax.f32 v3, $0.0e+00;
	v1 =	vadd.f32 v1, v11  }
0xa5: {  	v3 =	vld [tilespmem:s21+$0x161D0];
	[tilespmem:s19+$0x139D0] =	vst v7;
	v7 =	vmax.f32 v2, $0.0e+00  }
0xa6: {  	v2 =	vld [tilespmem:s21+$0x161E0];
	[tilespmem:s19+$0x139E0] =	vst v7;
	v7 =	vmax.f32 v1, $0.0e+00  }
0xa7: {  	v1 =	vld [tilespmem:s21+$0x161F0];
	[tilespmem:s19+$0x139F0] =	vst v7;
	s19 =	smov.u32 s21  }
0xa8: {  	v7 =	vld [tilespmem:s19+$0x13980]  }
0xa9: {  	v12 =	vld [tilespmem:s19+$0x13990]  }
.Ltmp5:
0xaa: {  	v11 =	vld [tilespmem:s19+$0x139A0];
	(pc) =	sbr.rel @p2 .LBB2_5-.Ltmp5, $4  }
0xab: {  	v10 =	vld [tilespmem:s19+$0x139B0]  }
0xac: {  	v9 =	vld [tilespmem:s19+$0x139C0]  }
0xad: {  	v13 =	vadd.f32 v14, v7;
	v8 =	vld [tilespmem:s19+$0x139D0]  }
0xae: {  	s20 =	sadd.s32 $0x200, s20;
	v12 =	vadd.f32 v15, v12;
	v7 =	vld [tilespmem:s19+$0x139E0]  }
0xaf: {  	v13 =	vmax.f32 v13, $0.0e+00;
	v6 =	vadd.f32 v6, v11;
	v63 =	vld [tilespmem:s19+$0x139F0]  }
0xb0: {  	[tilespmem:s19+$0x13980] =	vst v13;
	v12 =	vmax.f32 v12, $0.0e+00;
	v5 =	vadd.f32 v5, v10  }
0xb1: {  	[tilespmem:s19+$0x13990] =	vst v12;
	v6 =	vmax.f32 v6, $0.0e+00;
	v4 =	vadd.f32 v4, v9  }
0xb2: {  	[tilespmem:s19+$0x139A0] =	vst v6;
	v5 =	vmax.f32 v5, $0.0e+00;
	v3 =	vadd.f32 v3, v8  }
0xb3: {  	[tilespmem:s19+$0x139B0] =	vst v5;
	v4 =	vmax.f32 v4, $0.0e+00;
	v2 =	vadd.f32 v2, v7  }
0xb4: {  	[tilespmem:s19+$0x139C0] =	vst v4;
	v3 =	vmax.f32 v3, $0.0e+00;
	v1 =	vadd.f32 v1, v63  }
0xb5: {  	[tilespmem:s19+$0x139D0] =	vst v3;
	v2 =	vmax.f32 v2, $0.0e+00  }
0xb6: {  	p2 =	seq.s32 s18, $0x3E;
	[tilespmem:s19+$0x139E0] =	vst v2;
	v1 =	vmax.f32 v1, $0.0e+00  }
0xb7: {  	[tilespmem:s19+$0x139F0] =	vst v1;
	s19 =	sshll.u32 @!p2 s18, $0x6  }
0xb8: {  	[spmem:s3] =	stream.indirect.scatter.add.f32 [tilespmem:s29], [sflag:$0x7], $0x80, s0, s10, $0xb8;
	[tilespmem:$0x1DA80] =	vst v63  }
0xb9: {  	s19 =	sadd.s32 @!p2 s26, s19  }
0xba: {  	_ =	swait.ge [sflag:s30], $0x2800;
	s20 =	smul.u32 @!p2 $0xA, s19  }
0xbb: {  	s22 =	simm.s32 @!p2 $0x0;
	[sflag:s30] =	ssyncset.done $0x0  }
0xbc: {  	s23 =	simm.s32 @!p2 $0x13880;
	[sflag:s30] =	ssyncadd.s32 $0xFFFFD800;
	s21 =	sadd.s32 @!p2 s6, s20  }
0xbd: {  	[tilespmem:s23], [sflag:$0x1] =	stream.linear.gather @!p2 [hbm4b:s21+s22], $0x50, $0x38;
	[tilespmem:$0x1DA80] =	vst v63  }
0xbe: {  	s20 =	sadd.s32 @!p2 s2, s20;
	s21 =	simm.s32 @!p2 $0x13900  }
0xbf: {  	[tilespmem:s21], [sflag:$0x1] =	stream.linear.gather @!p2 [hbm4b:s20+s22], $0x50, $0x38;
	[tilespmem:$0x1DA80] =	vst v63  }
0xc0: {  	s20 =	simm.s32 @!p2 $0x1  }
0xc1: {  	_ =	swait.ge @!p2 [sflag:s20], $0x50  }
0xc2: {  	[sflag:s20] =	ssyncset.done @!p2 $0x0  }
0xc3: {  	[sflag:s20] =	ssyncadd.s32 @!p2 $0xFFFFFFB0  }
0xc4: {  	s19 =	smul.u32 @!p2 $0x500, s19;
	_ =	swait.ge @!p2 [sflag:s20], $0x50  }
.Ltmp6:
0xc5: {  	[sflag:s20] =	ssyncset.done @!p2 $0x0;
	(pc) =	sbr.rel @p1 .LBB2_10-.Ltmp6, $4  }
0xc6: {  	s19 =	sadd.s32 @!p2 s7, s19;
	[sflag:s20] =	ssyncadd.s32 @!p2 $0xFFFFFFB0;
	s20 =	simm.s32 @!p2 $0x16180  }
0xc7: {  	[tilespmem:s20], [sflag:$0x3] =	stream.linear.gather @!p2 [hbm4b:s19+s22], $0x2800, $0x38;
	[tilespmem:$0x1DA80] =	vst v63  }
0xc8: {  	s19 =	simm.s32 @!p2 $0x50;
	s20 =	simm.s32 @!p2 $0x13980  }
0xc9: {  	[tilespmem:s20], [sflag:$0x2] =	stream.indirect.gather @!p2 [hbm4b:s1+s19], $0x80, s23, s19, $0xb8;
	[tilespmem:$0x1DA80] =	vst v63  }
0xca: {  	_ =	swait.ge [sflag:s14], $0x2800  }
0xcb: {  	[sflag:s14] =	ssyncset.done $0x0  }
0xcc: {  	[sflag:s14] =	ssyncadd.s32 $0xFFFFD800  }
0xcd: {  	_ =	swait.ge [sflag:s15], $0x2800  }
0xce: {  	[sflag:s15] =	ssyncset.done $0x0  }
0xcf: {  	s19 =	simm.s32 $0x0;
	[sflag:s15] =	ssyncadd.s32 $0xFFFFD800  }
0xd0: {  	v7 =	vld [tilespmem:s19+$0x1B280]  }
0xd1: {  	v12 =	vld [tilespmem:s19+$0x1B290]  }
0xd2: {  	v6 =	vld [tilespmem:s19+$0x1B2A0]  }
0xd3: {  	v5 =	vld [tilespmem:s19+$0x1B2B0]  }
0xd4: {  	v4 =	vld [tilespmem:s19+$0x1B2C0]  }
0xd5: {  	v3 =	vld [tilespmem:s19+$0x1B2D0]  }
0xd6: {  	v2 =	vld [tilespmem:s19+$0x1B2E0]  }
0xd7: {  	v1 =	vld [tilespmem:s19+$0x1B2F0]  }
0xd8: {  	v13 =	vld [tilespmem:s19+$0x18A80]  }
0xd9: {  	v14 =	vld [tilespmem:s19+$0x18A90]  }
0xda: {  	v11 =	vld [tilespmem:s19+$0x18AA0]  }
0xdb: {  	v10 =	vld [tilespmem:s19+$0x18AB0]  }
0xdc: {  	v9 =	vld [tilespmem:s19+$0x18AC0]  }
0xdd: {  	v8 =	vld [tilespmem:s19+$0x18AD0];
	v13 =	vadd.f32 v7, v13  }
0xde: {  	s20 =	simm.s32 $0x200;
	v12 =	vadd.f32 v12, v14;
	v7 =	vld [tilespmem:s19+$0x18AE0]  }
.LBB2_8:
0xdf: {  	s21 =	sshra.s32 s20, $0x2;
	p1 =	sne.s32 s20, $0x9E00;
	v13 =	vmax.f32 v13, $0.0e+00;
	v6 =	vadd.f32 v6, v11;
	v11 =	vld [tilespmem:s19+$0x18AF0]  }
0xe0: {  	v14 =	vld [tilespmem:s21+$0x1B280];
	[tilespmem:s19+$0x18A80] =	vst v13;
	v12 =	vmax.f32 v12, $0.0e+00;
	v5 =	vadd.f32 v5, v10  }
0xe1: {  	v15 =	vld [tilespmem:s21+$0x1B290];
	[tilespmem:s19+$0x18A90] =	vst v12;
	v10 =	vmax.f32 v6, $0.0e+00;
	v4 =	vadd.f32 v4, v9  }
0xe2: {  	v6 =	vld [tilespmem:s21+$0x1B2A0];
	[tilespmem:s19+$0x18AA0] =	vst v10;
	v9 =	vmax.f32 v5, $0.0e+00;
	v3 =	vadd.f32 v3, v8  }
0xe3: {  	v5 =	vld [tilespmem:s21+$0x1B2B0];
	[tilespmem:s19+$0x18AB0] =	vst v9;
	v8 =	vmax.f32 v4, $0.0e+00;
	v2 =	vadd.f32 v2, v7  }
0xe4: {  	v4 =	vld [tilespmem:s21+$0x1B2C0];
	[tilespmem:s19+$0x18AC0] =	vst v8;
	v7 =	vmax.f32 v3, $0.0e+00;
	v1 =	vadd.f32 v1, v11  }
0xe5: {  	v3 =	vld [tilespmem:s21+$0x1B2D0];
	[tilespmem:s19+$0x18AD0] =	vst v7;
	v7 =	vmax.f32 v2, $0.0e+00  }
0xe6: {  	v2 =	vld [tilespmem:s21+$0x1B2E0];
	[tilespmem:s19+$0x18AE0] =	vst v7;
	v7 =	vmax.f32 v1, $0.0e+00  }
0xe7: {  	v1 =	vld [tilespmem:s21+$0x1B2F0];
	[tilespmem:s19+$0x18AF0] =	vst v7;
	s19 =	smov.u32 s21  }
0xe8: {  	v7 =	vld [tilespmem:s19+$0x18A80]  }
0xe9: {  	v12 =	vld [tilespmem:s19+$0x18A90]  }
.Ltmp7:
0xea: {  	v11 =	vld [tilespmem:s19+$0x18AA0];
	(pc) =	sbr.rel @p1 .LBB2_8-.Ltmp7, $4  }
0xeb: {  	v10 =	vld [tilespmem:s19+$0x18AB0]  }
0xec: {  	v9 =	vld [tilespmem:s19+$0x18AC0]  }
0xed: {  	v13 =	vadd.f32 v14, v7;
	v8 =	vld [tilespmem:s19+$0x18AD0]  }
0xee: {  	s20 =	sadd.s32 $0x200, s20;
	v12 =	vadd.f32 v15, v12;
	v7 =	vld [tilespmem:s19+$0x18AE0]  }
0xef: {  	v13 =	vmax.f32 v13, $0.0e+00;
	v6 =	vadd.f32 v6, v11;
	v63 =	vld [tilespmem:s19+$0x18AF0]  }
0xf0: {  	[tilespmem:s19+$0x18A80] =	vst v13;
	v12 =	vmax.f32 v12, $0.0e+00;
	v5 =	vadd.f32 v5, v10  }
0xf1: {  	[tilespmem:s19+$0x18A90] =	vst v12;
	v6 =	vmax.f32 v6, $0.0e+00;
	v4 =	vadd.f32 v4, v9  }
0xf2: {  	[tilespmem:s19+$0x18AA0] =	vst v6;
	v5 =	vmax.f32 v5, $0.0e+00;
	v3 =	vadd.f32 v3, v8  }
0xf3: {  	[tilespmem:s19+$0x18AB0] =	vst v5;
	v4 =	vmax.f32 v4, $0.0e+00;
	v2 =	vadd.f32 v2, v7  }
0xf4: {  	[tilespmem:s19+$0x18AC0] =	vst v4;
	v3 =	vmax.f32 v3, $0.0e+00;
	v1 =	vadd.f32 v1, v63  }
0xf5: {  	[tilespmem:s19+$0x18AD0] =	vst v3;
	v2 =	vmax.f32 v2, $0.0e+00  }
0xf6: {  	[tilespmem:s19+$0x18AE0] =	vst v2;
	v1 =	vmax.f32 v1, $0.0e+00  }
.Ltmp8:
0xf7: {  	[tilespmem:s19+$0x18AF0] =	vst v1;
	(pc) =	sbr.rel .LBB2_10-.Ltmp8, $4  }
0xf8: {  	[spmem:s3] =	stream.indirect.scatter.add.f32 [tilespmem:s16], [sflag:$0x7], $0x80, s11, s10, $0xb8;
	[tilespmem:$0x1DA80] =	vst v63  }
0xf9: {  	_ =	swait.ge [sflag:s30], $0x2800  }
0xfa: {  	[sflag:s30] =	ssyncset.done $0x0  }
0xfb: {  	[sflag:s30] =	ssyncadd.s32 $0xFFFFD800  }
.LBB2_12:
0xfc: {  	_ =	sfence.sel $0x180000  }
0xfd: {  	[bflag:$0x0] =	sbarrier.arrive $0xFFFF  }
0xfe: {  	_ =	strace $0x90000047  }
0xff: {  	[bflag:$0x2] =	sbarrier.arrive $0xFFFF  }
0x100: {  	s0 =	rddreg [dreg:$0x4]  }
0x101: {  	s0 =	sadd.s32 @!p0 $0x100000, s0  }
0x102: {  	[sflag:s0] =	ssyncadd.tile.s32 @!p0 $0x1;
	_ =	shalt  }
.Lfunc_end2:
_tile_overlayer_lowered:
.L_overlay_start_2:
0x103: {  	(tag) =	ssettag $0x2  }
0x104: {  	s0 =	rddreg [dreg:$0x0];
	s2 =	stileid.u32  }
0x105: {  	s1 =	rddreg [dreg:$0x1];
	p0 =	sne.s32 s2, $0x0  }
0x106: {  	s3 =	rddreg [dreg:$0x2];
	[bflag:$0x3] =	sbarrier.arrive $0xFFFF;
	s2 =	simm.s32 @!p0 $0x1C07  }
0x107: {  	[timem:s3], [sflag:s2] =	dma.local @!p0 [hbm:s0], s1  }
0x108: {  	s0 =	simm.s32 @!p0 $0x7  }
0x109: {  	_ =	swait.ge @!p0 [sflag:s0], s1  }
0x10a: {  	s1 =	ssub.s32 @!p0 $0x0, s1;
	[sflag:s0] =	ssyncset.done @!p0 $0x0  }
0x10b: {  	[sflag:s0] =	ssyncadd.s32 @!p0 s1  }
0x10c: {  	[bflag:$0x3] =	sbarrier.arrive $0xFFFF  }
0x10d: {  	_ =	shalt  }

</sc_bundles>
